<compile_context>
chip_gen: v7x
topology: tpu7x:2x2x1
jax: 0.10.2.dev20260603
libtpu: 0.0.44.dev20260713+nightly
codegen_flags: <defaults>
</compile_context>

<pallas_src>
import dataclasses
import functools

import numpy as np
import jax
import jax.numpy as jnp
from jax import lax
from jax.experimental import pallas as pl
from jax.experimental.pallas import tpu as pltpu
from jax.experimental.pallas import tpu_sc as plsc

NC = 2
NS = 16
LANES = 16
C = 80
ZR = 24
GB = 5


def _i32_loop(lo, hi, step, body):
    n = (hi - lo) // step

    def f(i, carry):
        body(jnp.int32(lo) + i * jnp.int32(step))
        return carry

    lax.fori_loop(jnp.int32(0), jnp.int32(n), f, jnp.int32(0))


@functools.lru_cache(maxsize=None)
def _make_sc_agg(N, D, E):
    NW = NC * NS
    EPT = E // NW
    J = EPT // C
    G = J // GB
    W = (N // NS) // 8 * 8
    RG = 8
    assert EPT * NW == E and G * GB == J and J * C == EPT
    assert (NS - 1) * W + RG * C == N

    mesh = plsc.VectorSubcoreMesh(
        core_axis_name="c", subcore_axis_name="s",
        num_cores=NC, num_subcores=NS)

    cp = pltpu.CompilerParams()
    if "needs_layout_passes" in pltpu.CompilerParams.__dataclass_fields__:
        cp = dataclasses.replace(cp, needs_layout_passes=False)

    @functools.partial(
        pl.kernel,
        out_type=(jax.ShapeDtypeStruct((NC, N, D), jnp.float32),
                  jax.ShapeDtypeStruct((NW, 1, N), jnp.float32)),
        mesh=mesh, compiler_params=cp,
        scratch_types=[
            pltpu.VMEM((GB, C), jnp.int32),
            pltpu.VMEM((GB, C), jnp.int32),
            pltpu.VMEM((C, D), jnp.float32),
            pltpu.VMEM((LANES, D), jnp.float32),
            pltpu.VMEM((C // LANES, LANES), jnp.int32),
            pltpu.VMEM((C,), jnp.int32),
            pltpu.VMEM((1, N), jnp.float32),
            pltpu.VMEM_SHARED((N, D), jnp.float32),
            pltpu.SemaphoreType.DMA,
        ])
    def sc_agg(h_hbm, src_hbm, dst_hbm, psum_hbm, pdeg_hbm,
               srcv, dstv, gbuf, zbuf16, ridx2, ridx, degloc, acc, sem):
        c = lax.axis_index("c").astype(jnp.int32)
        s = lax.axis_index("s").astype(jnp.int32)
        t = c * jnp.int32(NS) + s
        lane = lax.iota(jnp.int32, LANES)
        zero16f = jnp.zeros((LANES,), jnp.float32)
        zero16i = jnp.zeros((LANES,), jnp.int32)
        ones16 = jnp.ones((LANES,), jnp.float32)
        z32 = jnp.int32(0)

        def init_zrow(i):
            def inner(j):
                zbuf16[i, pl.ds(j, LANES)] = zero16f

            _i32_loop(0, D, LANES, inner)

        _i32_loop(0, LANES, 1, init_zrow)

        def init_deg(i):
            degloc[z32, pl.ds(i, LANES)] = zero16f

        _i32_loop(0, N, LANES, init_deg)

        base = s * jnp.int32(W)

        def zero_group(g):
            row0 = base + g * jnp.int32(C)
            for j in range(C // LANES):
                ridx2[jnp.int32(j), :] = lane + row0 + jnp.int32(j * LANES)
            for j in range(C // LANES):
                pltpu.sync_copy(zbuf16, acc.at[ridx2.at[jnp.int32(j)]])

        _i32_loop(0, RG, 1, zero_group)

        plsc.subcore_barrier()

        def group(g):
            tg = t * jnp.int32(G) + g
            pltpu.sync_copy(src_hbm.at[tg], srcv)
            pltpu.sync_copy(dst_hbm.at[tg], dstv)
            for k in range(GB):
                k32 = jnp.int32(k)
                pltpu.async_copy(h_hbm.at[srcv.at[k32]], gbuf, sem).wait()
                pltpu.sync_copy(gbuf, acc.at[dstv.at[k32]], add=True)
                for j in range(C // LANES):
                    idx16 = dstv[k32, pl.ds(jnp.int32(j * LANES), LANES)]
                    plsc.addupdate_scatter(degloc, [zero16i, idx16], ones16)

        _i32_loop(0, G, 1, group)

        plsc.subcore_barrier()

        def fill_ridx(row0):
            for j in range(C // LANES):
                ridx[pl.ds(jnp.int32(j * LANES), LANES)] = (
                    lane + row0 + jnp.int32(j * LANES))

        def write_group(g):
            row0 = base + g * jnp.int32(C)
            fill_ridx(row0)
            pltpu.sync_copy(acc.at[ridx], gbuf)
            pltpu.sync_copy(gbuf, psum_hbm.at[c, pl.ds(row0, C)])

        _i32_loop(0, RG, 1, write_group)

        pltpu.sync_copy(degloc, pdeg_hbm.at[t])

    return sc_agg


@functools.lru_cache(maxsize=None)
def _make_tc_mlp(N, D, H, O):
    _Z = np.int32(0)

    def body(h_ref, ps_ref, pd_ref, w1_ref, b1_ref, w2_ref, b2_ref, out_ref):
        ssum = ps_ref[0] + ps_ref[1]
        dcol = jnp.sum(pd_ref[...], axis=0)
        hn = ssum / jnp.maximum(dcol, 1.0)[:, None]
        z = (jnp.dot(h_ref[...], w1_ref[:D],
                     preferred_element_type=jnp.float32,
                     precision=lax.Precision.HIGHEST)
             + jnp.dot(hn, w1_ref[D:],
                       preferred_element_type=jnp.float32,
                       precision=lax.Precision.HIGHEST)
             + b1_ref[...])
        z2 = jnp.dot(z, w2_ref[...],
                     preferred_element_type=jnp.float32,
                     precision=lax.Precision.HIGHEST) + b2_ref[...]
        out_ref[...] = jnp.maximum(z2, 0.0)

    return pl.pallas_call(
        body,
        out_shape=jax.ShapeDtypeStruct((N, O), jnp.float32),
    )


def kernel(h, edge_index, W1, b1, W2, b2):
    N, D = h.shape
    E = edge_index.shape[1]
    H = W1.shape[1]
    O = W2.shape[1]

    NW = NC * NS
    J = E // (NW * C)
    src = edge_index[0].astype(jnp.int32).reshape(NW * (J // GB), GB, C)
    dst = edge_index[1].astype(jnp.int32).reshape(NW * (J // GB), GB, C)
    h32 = h.astype(jnp.float32)

    psum, pdeg = _make_sc_agg(N, D, E)(h32, src, dst)
    pdeg = pdeg.reshape(NC * NS, N)
    out = _make_tc_mlp(N, D, H, O)(
        h32, psum, pdeg,
        W1.astype(jnp.float32), b1.astype(jnp.float32).reshape(1, H),
        W2.astype(jnp.float32), b2.astype(jnp.float32).reshape(1, O))
    return out.astype(jnp.result_type(h, W1, W2))

# --- scband reference (transcript-rebuilt; emitter-appended) ---
"""Pipeline reference for scband-sageone-conv-layer-50448685859138 (READ-ONLY COPY).

The authoritative reference and input builder live on the scoring server;
editing this copy changes nothing except your own understanding.
"""

import jax, jax.numpy as jnp
import numpy as np
jax.config.update("jax_enable_x64", True)

N = 10000
E = 320000
D = 128
H = 128
O = 128


def setup_inputs(seed: int = 0) -> dict:
    key = jax.random.key(seed)
    k1, k2, k3, k4, k5, k6 = jax.random.split(key, 6)
    h = jax.random.normal(k1, (N, D), dtype=jnp.float32)
    edge_index = jax.random.randint(k2, (2, E), 0, N, dtype=jnp.int64)
    # linear stack params: Linear(in_dim*2 -> hidden_dim), Linear(hidden_dim -> out_dim)
    W1 = jax.random.normal(k3, (2 * D, H), dtype=jnp.float32) * (1.0 / np.sqrt(2 * D))
    b1 = jnp.zeros((H,), dtype=jnp.float32)
    W2 = jax.random.normal(k4, (H, O), dtype=jnp.float32) * (1.0 / np.sqrt(H))
    b2 = jnp.zeros((O,), dtype=jnp.float32)
    return {"h": h, "edge_index": edge_index, "W1": W1, "b1": b1, "W2": W2, "b2": b2}


def reference(h, edge_index, W1, b1, W2, b2):
    # DGL: g.update_all(fn.copy_u('h','m'), fn.mean('m','h_neigh'))
    src = edge_index[0]
    dst = edge_index[1]
    msg = jnp.take(h, src, axis=0)  # copy_u gather: [E, D]
    summed = jax.ops.segment_sum(msg, dst, num_segments=N)  # scatter-add
    deg = jax.ops.segment_sum(jnp.ones((E,), dtype=h.dtype), dst, num_segments=N)
    # mean over incoming messages; nodes with no in-edges get 0 (DGL semantics)
    h_neigh = summed / jnp.maximum(deg, 1.0)[:, None]
    h_total = jnp.concatenate([h, h_neigh], axis=1)  # [N, 2D]
    z = h_total @ W1 + b1
    z = z @ W2 + b2
    return jax.nn.relu(z)

if __name__ == "__main__":
    import jax
    _d = setup_inputs()
    print(jax.jit(kernel)(*tuple(_d.values())))

</pallas_src>

<mosaic_0001>
#map = affine_map<(d0, d1) -> (0, 0)>
#map1 = affine_map<(d0, d1) -> (0, 0, 0)>
module attributes {stable_mosaic.version = 14 : i64} {
  func.func @sc_agg(%arg0: i32, %arg1: i32, %arg2: memref<10000x128xf32, #tpu.memory_space<hbm>>, %arg3: memref<800x5x80xi32, #tpu.memory_space<hbm>>, %arg4: memref<800x5x80xi32, #tpu.memory_space<hbm>>, %arg5: memref<2x10000x128xf32, #tpu.memory_space<hbm>>, %arg6: memref<32x1x10000xf32, #tpu.memory_space<hbm>>, %arg7: memref<5x80xi32, #tpu.memory_space<vmem>>, %arg8: memref<5x80xi32, #tpu.memory_space<vmem>>, %arg9: memref<80x128xf32, #tpu.memory_space<vmem>>, %arg10: memref<16x128xf32, #tpu.memory_space<vmem>>, %arg11: memref<5x16xi32, #tpu.memory_space<vmem>>, %arg12: memref<80xi32, #tpu.memory_space<vmem>>, %arg13: memref<1x10000xf32, #tpu.memory_space<vmem>>, %arg14: memref<10000x128xf32, #tpu.memory_space<vmem_shared>>, %arg15: memref<!tpu.dma_semaphore, #tpu.memory_space<semaphore_mem>>) attributes {dimension_semantics = [#tpu.dimension_semantics<core_parallel>, #tpu.dimension_semantics<subcore_parallel>], iteration_bounds = array<i64: 2, 16>, scalar_prefetch = 0 : i64, scratch_operands = 9 : i64, tpu.core_type = #tpu.core_type<sc_vector_subcore>, window_params = [{transform_indices = #map}, {transform_indices = #map1}, {transform_indices = #map1}, {transform_indices = #map1}, {transform_indices = #map1}]} {
    %mul3A = arith.constant 16 : i32
    %mul3A_0 = arith.muli %arg0, %mul3A : i32
    %add3A = arith.addi %mul3A_0, %arg1 : i32
    %iota3A = tpu.iota {dimensions = array<i32: 0>} : vector<16xi32>
    %broadcast_in_dim3A = arith.constant 0.000000e+00 : f32
    %broadcast_in_dim3A_1 = vector.broadcast %broadcast_in_dim3A : f32 to vector<16xf32>
    %broadcast_in_dim3A_2 = arith.constant 0 : i32
    %broadcast_in_dim3A_3 = vector.broadcast %broadcast_in_dim3A_2 : i32 to vector<16xi32>
    %broadcast_in_dim3A_4 = arith.constant 1.000000e+00 : f32
    %broadcast_in_dim3A_5 = vector.broadcast %broadcast_in_dim3A_4 : f32 to vector<16xf32>
    %while3A = arith.constant 0 : i32
    %while3A_6 = arith.constant 0 : i32
    %while3A_7 = arith.constant 16 : i32
    %while3A_8 = arith.subi %while3A_7, %while3A_6 : i32
    %while3A_9 = arith.addi %while3A_6, %while3A_8 : i32
    %while3A_10 = arith.constant 1 : i32
    %while3A_11 = arith.divsi %while3A_8, %while3A_10 : i32
    %while3A_12 = arith.muli %while3A_11, %while3A_10 : i32
    %while3A_13 = arith.addi %while3A_6, %while3A_12 : i32
    %while3A_14 = arith.constant 1 : i32
    scf.for %while3A_64 = %while3A_6 to %while3A_13 step %while3A_14  : i32 {
      %mul3A_65 = arith.constant 1 : i32
      %mul3A_66 = arith.muli %while3A_64, %mul3A_65 : i32
      %add3A_67 = arith.constant 0 : i32
      %add3A_68 = arith.addi %add3A_67, %mul3A_66 : i32
      %while3A_69 = arith.constant 0 : i32
      %while3A_70 = arith.constant 0 : i32
      %while3A_71 = arith.constant 8 : i32
      %while3A_72 = arith.subi %while3A_71, %while3A_70 : i32
      %while3A_73 = arith.addi %while3A_70, %while3A_72 : i32
      %while3A_74 = arith.constant 1 : i32
      %while3A_75 = arith.divsi %while3A_72, %while3A_74 : i32
      %while3A_76 = arith.muli %while3A_75, %while3A_74 : i32
      %while3A_77 = arith.addi %while3A_70, %while3A_76 : i32
      %while3A_78 = arith.constant 1 : i32
      scf.for %while3A_80 = %while3A_70 to %while3A_77 step %while3A_78  : i32 {
        %mul3A_81 = arith.constant 16 : i32
        %mul3A_82 = arith.muli %while3A_80, %mul3A_81 : i32
        %add3A_83 = arith.constant 0 : i32
        %add3A_84 = arith.addi %add3A_83, %mul3A_82 : i32
        %swap3A = arith.index_cast %add3A_68 : i32 to index
        %swap3A_85 = arith.index_cast %add3A_84 : i32 to index
        %swap3A_86 = tpu.vector_load %arg10[%swap3A, %swap3A_85] {strides = array<i32>} : memref<16x128xf32, #tpu.memory_space<vmem>>, vector<16xf32>,
        tpu.vector_store %arg10[%swap3A, %swap3A_85], %broadcast_in_dim3A_1 {strides = array<i32>} : memref<16x128xf32, #tpu.memory_space<vmem>>, vector<16xf32>,
      }
      %while3A_79 = arith.constant 1 : i32
      scf.for %while3A_80 = %while3A_77 to %while3A_73 step %while3A_79  : i32 {
        %mul3A_81 = arith.constant 16 : i32
        %mul3A_82 = arith.muli %while3A_80, %mul3A_81 : i32
        %add3A_83 = arith.constant 0 : i32
        %add3A_84 = arith.addi %add3A_83, %mul3A_82 : i32
        %swap3A = arith.index_cast %add3A_68 : i32 to index
        %swap3A_85 = arith.index_cast %add3A_84 : i32 to index
        %swap3A_86 = tpu.vector_load %arg10[%swap3A, %swap3A_85] {strides = array<i32>} : memref<16x128xf32, #tpu.memory_space<vmem>>, vector<16xf32>,
        tpu.vector_store %arg10[%swap3A, %swap3A_85], %broadcast_in_dim3A_1 {strides = array<i32>} : memref<16x128xf32, #tpu.memory_space<vmem>>, vector<16xf32>,
      }
    }
    %while3A_15 = arith.constant 1 : i32
    scf.for %while3A_64 = %while3A_13 to %while3A_9 step %while3A_15  : i32 {
      %mul3A_65 = arith.constant 1 : i32
      %mul3A_66 = arith.muli %while3A_64, %mul3A_65 : i32
      %add3A_67 = arith.constant 0 : i32
      %add3A_68 = arith.addi %add3A_67, %mul3A_66 : i32
      %while3A_69 = arith.constant 0 : i32
      %while3A_70 = arith.constant 0 : i32
      %while3A_71 = arith.constant 8 : i32
      %while3A_72 = arith.subi %while3A_71, %while3A_70 : i32
      %while3A_73 = arith.addi %while3A_70, %while3A_72 : i32
      %while3A_74 = arith.constant 1 : i32
      %while3A_75 = arith.divsi %while3A_72, %while3A_74 : i32
      %while3A_76 = arith.muli %while3A_75, %while3A_74 : i32
      %while3A_77 = arith.addi %while3A_70, %while3A_76 : i32
      %while3A_78 = arith.constant 1 : i32
      scf.for %while3A_80 = %while3A_70 to %while3A_77 step %while3A_78  : i32 {
        %mul3A_81 = arith.constant 16 : i32
        %mul3A_82 = arith.muli %while3A_80, %mul3A_81 : i32
        %add3A_83 = arith.constant 0 : i32
        %add3A_84 = arith.addi %add3A_83, %mul3A_82 : i32
        %swap3A = arith.index_cast %add3A_68 : i32 to index
        %swap3A_85 = arith.index_cast %add3A_84 : i32 to index
        %swap3A_86 = tpu.vector_load %arg10[%swap3A, %swap3A_85] {strides = array<i32>} : memref<16x128xf32, #tpu.memory_space<vmem>>, vector<16xf32>,
        tpu.vector_store %arg10[%swap3A, %swap3A_85], %broadcast_in_dim3A_1 {strides = array<i32>} : memref<16x128xf32, #tpu.memory_space<vmem>>, vector<16xf32>,
      }
      %while3A_79 = arith.constant 1 : i32
      scf.for %while3A_80 = %while3A_77 to %while3A_73 step %while3A_79  : i32 {
        %mul3A_81 = arith.constant 16 : i32
        %mul3A_82 = arith.muli %while3A_80, %mul3A_81 : i32
        %add3A_83 = arith.constant 0 : i32
        %add3A_84 = arith.addi %add3A_83, %mul3A_82 : i32
        %swap3A = arith.index_cast %add3A_68 : i32 to index
        %swap3A_85 = arith.index_cast %add3A_84 : i32 to index
        %swap3A_86 = tpu.vector_load %arg10[%swap3A, %swap3A_85] {strides = array<i32>} : memref<16x128xf32, #tpu.memory_space<vmem>>, vector<16xf32>,
        tpu.vector_store %arg10[%swap3A, %swap3A_85], %broadcast_in_dim3A_1 {strides = array<i32>} : memref<16x128xf32, #tpu.memory_space<vmem>>, vector<16xf32>,
      }
    }
    %while3A_16 = arith.constant 0 : i32
    %while3A_17 = arith.constant 0 : i32
    %while3A_18 = arith.constant 0 : i32
    %while3A_19 = arith.constant 625 : i32
    %while3A_20 = arith.subi %while3A_19, %while3A_18 : i32
    %while3A_21 = arith.addi %while3A_18, %while3A_20 : i32
    %while3A_22 = arith.constant 1 : i32
    %while3A_23 = arith.divsi %while3A_20, %while3A_22 : i32
    %while3A_24 = arith.muli %while3A_23, %while3A_22 : i32
    %while3A_25 = arith.addi %while3A_18, %while3A_24 : i32
    %while3A_26 = arith.constant 1 : i32
    scf.for %while3A_64 = %while3A_18 to %while3A_25 step %while3A_26  : i32 {
      %mul3A_65 = arith.constant 16 : i32
      %mul3A_66 = arith.muli %while3A_64, %mul3A_65 : i32
      %add3A_67 = arith.constant 0 : i32
      %add3A_68 = arith.addi %add3A_67, %mul3A_66 : i32
      %swap3A = arith.index_cast %while3A_17 : i32 to index
      %swap3A_69 = arith.index_cast %add3A_68 : i32 to index
      %swap3A_70 = tpu.vector_load %arg13[%swap3A, %swap3A_69] {strides = array<i32>} : memref<1x10000xf32, #tpu.memory_space<vmem>>, vector<16xf32>,
      tpu.vector_store %arg13[%swap3A, %swap3A_69], %broadcast_in_dim3A_1 {strides = array<i32>} : memref<1x10000xf32, #tpu.memory_space<vmem>>, vector<16xf32>,
    }
    %while3A_27 = arith.constant 1 : i32
    scf.for %while3A_64 = %while3A_25 to %while3A_21 step %while3A_27  : i32 {
      %mul3A_65 = arith.constant 16 : i32
      %mul3A_66 = arith.muli %while3A_64, %mul3A_65 : i32
      %add3A_67 = arith.constant 0 : i32
      %add3A_68 = arith.addi %add3A_67, %mul3A_66 : i32
      %swap3A = arith.index_cast %while3A_17 : i32 to index
      %swap3A_69 = arith.index_cast %add3A_68 : i32 to index
      %swap3A_70 = tpu.vector_load %arg13[%swap3A, %swap3A_69] {strides = array<i32>} : memref<1x10000xf32, #tpu.memory_space<vmem>>, vector<16xf32>,
      tpu.vector_store %arg13[%swap3A, %swap3A_69], %broadcast_in_dim3A_1 {strides = array<i32>} : memref<1x10000xf32, #tpu.memory_space<vmem>>, vector<16xf32>,
    }
    %mul3A_28 = arith.constant 624 : i32
    %mul3A_29 = arith.muli %arg1, %mul3A_28 : i32
    %while3A_30 = arith.constant 0 : i32
    %while3A_31 = arith.constant 0 : i32
    %while3A_32 = arith.constant 8 : i32
    %while3A_33 = arith.subi %while3A_32, %while3A_31 : i32
    %while3A_34 = arith.addi %while3A_31, %while3A_33 : i32
    %while3A_35 = arith.constant 1 : i32
    %while3A_36 = arith.divsi %while3A_33, %while3A_35 : i32
    %while3A_37 = arith.muli %while3A_36, %while3A_35 : i32
    %while3A_38 = arith.addi %while3A_31, %while3A_37 : i32
    %while3A_39 = arith.constant 1 : i32
    scf.for %while3A_64 = %while3A_31 to %while3A_38 step %while3A_39  : i32 {
      %mul3A_65 = arith.constant 1 : i32
      %mul3A_66 = arith.muli %while3A_64, %mul3A_65 : i32
      %add3A_67 = arith.constant 0 : i32
      %add3A_68 = arith.addi %add3A_67, %mul3A_66 : i32
      %mul3A_69 = arith.constant 80 : i32
      %mul3A_70 = arith.muli %add3A_68, %mul3A_69 : i32
      %add3A_71 = arith.addi %mul3A_29, %mul3A_70 : i32
      %add3A_72 = vector.broadcast %add3A_71 : i32 to vector<16xi32>
      %add3A_73 = arith.addi %iota3A, %add3A_72 : vector<16xi32>
      %add3A_74 = arith.constant 0 : i32
      %add3A_75 = vector.broadcast %add3A_74 : i32 to vector<16xi32>
      %add3A_76 = arith.addi %add3A_73, %add3A_75 : vector<16xi32>
      %swap3A = arith.constant 0 : i32
      %swap3A_77 = arith.index_cast %swap3A : i32 to index
      %swap3A_78 = arith.constant 0 : index
      %swap3A_79 = tpu.vector_load %arg11[%swap3A_77, %swap3A_78] {strides = array<i32>} : memref<5x16xi32, #tpu.memory_space<vmem>>, vector<16xi32>,
      tpu.vector_store %arg11[%swap3A_77, %swap3A_78], %add3A_76 {strides = array<i32>} : memref<5x16xi32, #tpu.memory_space<vmem>>, vector<16xi32>,
      %add3A_80 = vector.broadcast %add3A_71 : i32 to vector<16xi32>
      %add3A_81 = arith.addi %iota3A, %add3A_80 : vector<16xi32>
      %add3A_82 = arith.constant 16 : i32
      %add3A_83 = vector.broadcast %add3A_82 : i32 to vector<16xi32>
      %add3A_84 = arith.addi %add3A_81, %add3A_83 : vector<16xi32>
      %swap3A_85 = arith.constant 1 : i32
      %swap3A_86 = arith.index_cast %swap3A_85 : i32 to index
      %swap3A_87 = arith.constant 0 : index
      %swap3A_88 = tpu.vector_load %arg11[%swap3A_86, %swap3A_87] {strides = array<i32>} : memref<5x16xi32, #tpu.memory_space<vmem>>, vector<16xi32>,
      tpu.vector_store %arg11[%swap3A_86, %swap3A_87], %add3A_84 {strides = array<i32>} : memref<5x16xi32, #tpu.memory_space<vmem>>, vector<16xi32>,
      %add3A_89 = vector.broadcast %add3A_71 : i32 to vector<16xi32>
      %add3A_90 = arith.addi %iota3A, %add3A_89 : vector<16xi32>
      %add3A_91 = arith.constant 32 : i32
      %add3A_92 = vector.broadcast %add3A_91 : i32 to vector<16xi32>
      %add3A_93 = arith.addi %add3A_90, %add3A_92 : vector<16xi32>
      %swap3A_94 = arith.constant 2 : i32
      %swap3A_95 = arith.index_cast %swap3A_94 : i32 to index
      %swap3A_96 = arith.constant 0 : index
      %swap3A_97 = tpu.vector_load %arg11[%swap3A_95, %swap3A_96] {strides = array<i32>} : memref<5x16xi32, #tpu.memory_space<vmem>>, vector<16xi32>,
      tpu.vector_store %arg11[%swap3A_95, %swap3A_96], %add3A_93 {strides = array<i32>} : memref<5x16xi32, #tpu.memory_space<vmem>>, vector<16xi32>,
      %add3A_98 = vector.broadcast %add3A_71 : i32 to vector<16xi32>
      %add3A_99 = arith.addi %iota3A, %add3A_98 : vector<16xi32>
      %add3A_100 = arith.constant 48 : i32
      %add3A_101 = vector.broadcast %add3A_100 : i32 to vector<16xi32>
      %add3A_102 = arith.addi %add3A_99, %add3A_101 : vector<16xi32>
      %swap3A_103 = arith.constant 3 : i32
      %swap3A_104 = arith.index_cast %swap3A_103 : i32 to index
      %swap3A_105 = arith.constant 0 : index
      %swap3A_106 = tpu.vector_load %arg11[%swap3A_104, %swap3A_105] {strides = array<i32>} : memref<5x16xi32, #tpu.memory_space<vmem>>, vector<16xi32>,
      tpu.vector_store %arg11[%swap3A_104, %swap3A_105], %add3A_102 {strides = array<i32>} : memref<5x16xi32, #tpu.memory_space<vmem>>, vector<16xi32>,
      %add3A_107 = vector.broadcast %add3A_71 : i32 to vector<16xi32>
      %add3A_108 = arith.addi %iota3A, %add3A_107 : vector<16xi32>
      %add3A_109 = arith.constant 64 : i32
      %add3A_110 = vector.broadcast %add3A_109 : i32 to vector<16xi32>
      %add3A_111 = arith.addi %add3A_108, %add3A_110 : vector<16xi32>
      %swap3A_112 = arith.constant 4 : i32
      %swap3A_113 = arith.index_cast %swap3A_112 : i32 to index
      %swap3A_114 = arith.constant 0 : index
      %swap3A_115 = tpu.vector_load %arg11[%swap3A_113, %swap3A_114] {strides = array<i32>} : memref<5x16xi32, #tpu.memory_space<vmem>>, vector<16xi32>,
      tpu.vector_store %arg11[%swap3A_113, %swap3A_114], %add3A_111 {strides = array<i32>} : memref<5x16xi32, #tpu.memory_space<vmem>>, vector<16xi32>,
      %run_scoped3A = arith.constant 0 : i32
      "tpu.region"() ({
        %run_scoped3A_120 = tpu.sem_alloc : memref<!tpu.dma_semaphore, #tpu.memory_space<semaphore_mem>>
        %dma_start3A = arith.constant 0 : i32
        %dma_start3A_121 = tpu.memref_slice %arg11[%run_scoped3A, %dma_start3A] : memref<5x16xi32, #tpu.memory_space<vmem>> -> memref<1x16xi32, #tpu.memory_space<vmem>>
        %dma_start3A_122 = tpu.memref_squeeze %dma_start3A_121 : memref<1x16xi32, #tpu.memory_space<vmem>> -> memref<16xi32, #tpu.memory_space<vmem>>
        %dma_start3A_123 = arith.constant 0 : i32
        %dma_start3A_124 = arith.constant 0 : i32
        %dma_start3A_125 = tpu.memref_slice %arg14[%dma_start3A_123, %dma_start3A_124] : memref<10000x128xf32, #tpu.memory_space<vmem_shared>> -> memref<10000x128xf32, #tpu.memory_space<vmem_shared>>
        tpu.enqueue_indirect_dma source(%arg10 : memref<16x128xf32, #tpu.memory_space<vmem>>) target(%dma_start3A_125 : memref<10000x128xf32, #tpu.memory_space<vmem_shared>>) offsets(%dma_start3A_122 : memref<16xi32, #tpu.memory_space<vmem>>) semaphore(%run_scoped3A_120 : memref<!tpu.dma_semaphore, #tpu.memory_space<semaphore_mem>>)
        %dma_wait3A = arith.constant 0 : i32
        %dma_wait3A_126 = tpu.memref_slice %arg11[%run_scoped3A, %dma_wait3A] : memref<5x16xi32, #tpu.memory_space<vmem>> -> memref<1x16xi32, #tpu.memory_space<vmem>>
        %dma_wait3A_127 = tpu.memref_squeeze %dma_wait3A_126 : memref<1x16xi32, #tpu.memory_space<vmem>> -> memref<16xi32, #tpu.memory_space<vmem>>
        %dma_wait3A_128 = arith.constant 0 : i32
        %dma_wait3A_129 = arith.constant 0 : i32
        %dma_wait3A_130 = tpu.memref_slice %arg14[%dma_wait3A_128, %dma_wait3A_129] : memref<10000x128xf32, #tpu.memory_space<vmem_shared>> -> memref<10000x128xf32, #tpu.memory_space<vmem_shared>>
        tpu.wait_indirect_dma semaphore(%run_scoped3A_120 : memref<!tpu.dma_semaphore, #tpu.memory_space<semaphore_mem>>) src(%arg10 : memref<16x128xf32, #tpu.memory_space<vmem>>) dst(%dma_wait3A_130 : memref<10000x128xf32, #tpu.memory_space<vmem_shared>>)
        tpu.yield
      }) : () -> ()
      %run_scoped3A_116 = arith.constant 1 : i32
      "tpu.region"() ({
        %run_scoped3A_120 = tpu.sem_alloc : memref<!tpu.dma_semaphore, #tpu.memory_space<semaphore_mem>>
        %dma_start3A = arith.constant 0 : i32
        %dma_start3A_121 = tpu.memref_slice %arg11[%run_scoped3A_116, %dma_start3A] : memref<5x16xi32, #tpu.memory_space<vmem>> -> memref<1x16xi32, #tpu.memory_space<vmem>>
        %dma_start3A_122 = tpu.memref_squeeze %dma_start3A_121 : memref<1x16xi32, #tpu.memory_space<vmem>> -> memref<16xi32, #tpu.memory_space<vmem>>
        %dma_start3A_123 = arith.constant 0 : i32
        %dma_start3A_124 = arith.constant 0 : i32
        %dma_start3A_125 = tpu.memref_slice %arg14[%dma_start3A_123, %dma_start3A_124] : memref<10000x128xf32, #tpu.memory_space<vmem_shared>> -> memref<10000x128xf32, #tpu.memory_space<vmem_shared>>
        tpu.enqueue_indirect_dma source(%arg10 : memref<16x128xf32, #tpu.memory_space<vmem>>) target(%dma_start3A_125 : memref<10000x128xf32, #tpu.memory_space<vmem_shared>>) offsets(%dma_start3A_122 : memref<16xi32, #tpu.memory_space<vmem>>) semaphore(%run_scoped3A_120 : memref<!tpu.dma_semaphore, #tpu.memory_space<semaphore_mem>>)
        %dma_wait3A = arith.constant 0 : i32
        %dma_wait3A_126 = tpu.memref_slice %arg11[%run_scoped3A_116, %dma_wait3A] : memref<5x16xi32, #tpu.memory_space<vmem>> -> memref<1x16xi32, #tpu.memory_space<vmem>>
        %dma_wait3A_127 = tpu.memref_squeeze %dma_wait3A_126 : memref<1x16xi32, #tpu.memory_space<vmem>> -> memref<16xi32, #tpu.memory_space<vmem>>
        %dma_wait3A_128 = arith.constant 0 : i32
        %dma_wait3A_129 = arith.constant 0 : i32
        %dma_wait3A_130 = tpu.memref_slice %arg14[%dma_wait3A_128, %dma_wait3A_129] : memref<10000x128xf32, #tpu.memory_space<vmem_shared>> -> memref<10000x128xf32, #tpu.memory_space<vmem_shared>>
        tpu.wait_indirect_dma semaphore(%run_scoped3A_120 : memref<!tpu.dma_semaphore, #tpu.memory_space<semaphore_mem>>) src(%arg10 : memref<16x128xf32, #tpu.memory_space<vmem>>) dst(%dma_wait3A_130 : memref<10000x128xf32, #tpu.memory_space<vmem_shared>>)
        tpu.yield
      }) : () -> ()
      %run_scoped3A_117 = arith.constant 2 : i32
      "tpu.region"() ({
        %run_scoped3A_120 = tpu.sem_alloc : memref<!tpu.dma_semaphore, #tpu.memory_space<semaphore_mem>>
        %dma_start3A = arith.constant 0 : i32
        %dma_start3A_121 = tpu.memref_slice %arg11[%run_scoped3A_117, %dma_start3A] : memref<5x16xi32, #tpu.memory_space<vmem>> -> memref<1x16xi32, #tpu.memory_space<vmem>>
        %dma_start3A_122 = tpu.memref_squeeze %dma_start3A_121 : memref<1x16xi32, #tpu.memory_space<vmem>> -> memref<16xi32, #tpu.memory_space<vmem>>
        %dma_start3A_123 = arith.constant 0 : i32
        %dma_start3A_124 = arith.constant 0 : i32
        %dma_start3A_125 = tpu.memref_slice %arg14[%dma_start3A_123, %dma_start3A_124] : memref<10000x128xf32, #tpu.memory_space<vmem_shared>> -> memref<10000x128xf32, #tpu.memory_space<vmem_shared>>
        tpu.enqueue_indirect_dma source(%arg10 : memref<16x128xf32, #tpu.memory_space<vmem>>) target(%dma_start3A_125 : memref<10000x128xf32, #tpu.memory_space<vmem_shared>>) offsets(%dma_start3A_122 : memref<16xi32, #tpu.memory_space<vmem>>) semaphore(%run_scoped3A_120 : memref<!tpu.dma_semaphore, #tpu.memory_space<semaphore_mem>>)
        %dma_wait3A = arith.constant 0 : i32
        %dma_wait3A_126 = tpu.memref_slice %arg11[%run_scoped3A_117, %dma_wait3A] : memref<5x16xi32, #tpu.memory_space<vmem>> -> memref<1x16xi32, #tpu.memory_space<vmem>>
        %dma_wait3A_127 = tpu.memref_squeeze %dma_wait3A_126 : memref<1x16xi32, #tpu.memory_space<vmem>> -> memref<16xi32, #tpu.memory_space<vmem>>
        %dma_wait3A_128 = arith.constant 0 : i32
        %dma_wait3A_129 = arith.constant 0 : i32
        %dma_wait3A_130 = tpu.memref_slice %arg14[%dma_wait3A_128, %dma_wait3A_129] : memref<10000x128xf32, #tpu.memory_space<vmem_shared>> -> memref<10000x128xf32, #tpu.memory_space<vmem_shared>>
        tpu.wait_indirect_dma semaphore(%run_scoped3A_120 : memref<!tpu.dma_semaphore, #tpu.memory_space<semaphore_mem>>) src(%arg10 : memref<16x128xf32, #tpu.memory_space<vmem>>) dst(%dma_wait3A_130 : memref<10000x128xf32, #tpu.memory_space<vmem_shared>>)
        tpu.yield
      }) : () -> ()
      %run_scoped3A_118 = arith.constant 3 : i32
      "tpu.region"() ({
        %run_scoped3A_120 = tpu.sem_alloc : memref<!tpu.dma_semaphore, #tpu.memory_space<semaphore_mem>>
        %dma_start3A = arith.constant 0 : i32
        %dma_start3A_121 = tpu.memref_slice %arg11[%run_scoped3A_118, %dma_start3A] : memref<5x16xi32, #tpu.memory_space<vmem>> -> memref<1x16xi32, #tpu.memory_space<vmem>>
        %dma_start3A_122 = tpu.memref_squeeze %dma_start3A_121 : memref<1x16xi32, #tpu.memory_space<vmem>> -> memref<16xi32, #tpu.memory_space<vmem>>
        %dma_start3A_123 = arith.constant 0 : i32
        %dma_start3A_124 = arith.constant 0 : i32
        %dma_start3A_125 = tpu.memref_slice %arg14[%dma_start3A_123, %dma_start3A_124] : memref<10000x128xf32, #tpu.memory_space<vmem_shared>> -> memref<10000x128xf32, #tpu.memory_space<vmem_shared>>
        tpu.enqueue_indirect_dma source(%arg10 : memref<16x128xf32, #tpu.memory_space<vmem>>) target(%dma_start3A_125 : memref<10000x128xf32, #tpu.memory_space<vmem_shared>>) offsets(%dma_start3A_122 : memref<16xi32, #tpu.memory_space<vmem>>) semaphore(%run_scoped3A_120 : memref<!tpu.dma_semaphore, #tpu.memory_space<semaphore_mem>>)
        %dma_wait3A = arith.constant 0 : i32
        %dma_wait3A_126 = tpu.memref_slice %arg11[%run_scoped3A_118, %dma_wait3A] : memref<5x16xi32, #tpu.memory_space<vmem>> -> memref<1x16xi32, #tpu.memory_space<vmem>>
        %dma_wait3A_127 = tpu.memref_squeeze %dma_wait3A_126 : memref<1x16xi32, #tpu.memory_space<vmem>> -> memref<16xi32, #tpu.memory_space<vmem>>
        %dma_wait3A_128 = arith.constant 0 : i32
        %dma_wait3A_129 = arith.constant 0 : i32
        %dma_wait3A_130 = tpu.memref_slice %arg14[%dma_wait3A_128, %dma_wait3A_129] : memref<10000x128xf32, #tpu.memory_space<vmem_shared>> -> memref<10000x128xf32, #tpu.memory_space<vmem_shared>>
        tpu.wait_indirect_dma semaphore(%run_scoped3A_120 : memref<!tpu.dma_semaphore, #tpu.memory_space<semaphore_mem>>) src(%arg10 : memref<16x128xf32, #tpu.memory_space<vmem>>) dst(%dma_wait3A_130 : memref<10000x128xf32, #tpu.memory_space<vmem_shared>>)
        tpu.yield
      }) : () -> ()
      %run_scoped3A_119 = arith.constant 4 : i32
      "tpu.region"() ({
        %run_scoped3A_120 = tpu.sem_alloc : memref<!tpu.dma_semaphore, #tpu.memory_space<semaphore_mem>>
        %dma_start3A = arith.constant 0 : i32
        %dma_start3A_121 = tpu.memref_slice %arg11[%run_scoped3A_119, %dma_start3A] : memref<5x16xi32, #tpu.memory_space<vmem>> -> memref<1x16xi32, #tpu.memory_space<vmem>>
        %dma_start3A_122 = tpu.memref_squeeze %dma_start3A_121 : memref<1x16xi32, #tpu.memory_space<vmem>> -> memref<16xi32, #tpu.memory_space<vmem>>
        %dma_start3A_123 = arith.constant 0 : i32
        %dma_start3A_124 = arith.constant 0 : i32
        %dma_start3A_125 = tpu.memref_slice %arg14[%dma_start3A_123, %dma_start3A_124] : memref<10000x128xf32, #tpu.memory_space<vmem_shared>> -> memref<10000x128xf32, #tpu.memory_space<vmem_shared>>
        tpu.enqueue_indirect_dma source(%arg10 : memref<16x128xf32, #tpu.memory_space<vmem>>) target(%dma_start3A_125 : memref<10000x128xf32, #tpu.memory_space<vmem_shared>>) offsets(%dma_start3A_122 : memref<16xi32, #tpu.memory_space<vmem>>) semaphore(%run_scoped3A_120 : memref<!tpu.dma_semaphore, #tpu.memory_space<semaphore_mem>>)
        %dma_wait3A = arith.constant 0 : i32
        %dma_wait3A_126 = tpu.memref_slice %arg11[%run_scoped3A_119, %dma_wait3A] : memref<5x16xi32, #tpu.memory_space<vmem>> -> memref<1x16xi32, #tpu.memory_space<vmem>>
        %dma_wait3A_127 = tpu.memref_squeeze %dma_wait3A_126 : memref<1x16xi32, #tpu.memory_space<vmem>> -> memref<16xi32, #tpu.memory_space<vmem>>
        %dma_wait3A_128 = arith.constant 0 : i32
        %dma_wait3A_129 = arith.constant 0 : i32
        %dma_wait3A_130 = tpu.memref_slice %arg14[%dma_wait3A_128, %dma_wait3A_129] : memref<10000x128xf32, #tpu.memory_space<vmem_shared>> -> memref<10000x128xf32, #tpu.memory_space<vmem_shared>>
        tpu.wait_indirect_dma semaphore(%run_scoped3A_120 : memref<!tpu.dma_semaphore, #tpu.memory_space<semaphore_mem>>) src(%arg10 : memref<16x128xf32, #tpu.memory_space<vmem>>) dst(%dma_wait3A_130 : memref<10000x128xf32, #tpu.memory_space<vmem_shared>>)
        tpu.yield
      }) : () -> ()
    }
    %while3A_40 = arith.constant 1 : i32
    scf.for %while3A_64 = %while3A_38 to %while3A_34 step %while3A_40  : i32 {
      %mul3A_65 = arith.constant 1 : i32
      %mul3A_66 = arith.muli %while3A_64, %mul3A_65 : i32
      %add3A_67 = arith.constant 0 : i32
      %add3A_68 = arith.addi %add3A_67, %mul3A_66 : i32
      %mul3A_69 = arith.constant 80 : i32
      %mul3A_70 = arith.muli %add3A_68, %mul3A_69 : i32
      %add3A_71 = arith.addi %mul3A_29, %mul3A_70 : i32
      %add3A_72 = vector.broadcast %add3A_71 : i32 to vector<16xi32>
      %add3A_73 = arith.addi %iota3A, %add3A_72 : vector<16xi32>
      %add3A_74 = arith.constant 0 : i32
      %add3A_75 = vector.broadcast %add3A_74 : i32 to vector<16xi32>
      %add3A_76 = arith.addi %add3A_73, %add3A_75 : vector<16xi32>
      %swap3A = arith.constant 0 : i32
      %swap3A_77 = arith.index_cast %swap3A : i32 to index
      %swap3A_78 = arith.constant 0 : index
      %swap3A_79 = tpu.vector_load %arg11[%swap3A_77, %swap3A_78] {strides = array<i32>} : memref<5x16xi32, #tpu.memory_space<vmem>>, vector<16xi32>,
      tpu.vector_store %arg11[%swap3A_77, %swap3A_78], %add3A_76 {strides = array<i32>} : memref<5x16xi32, #tpu.memory_space<vmem>>, vector<16xi32>,
      %add3A_80 = vector.broadcast %add3A_71 : i32 to vector<16xi32>
      %add3A_81 = arith.addi %iota3A, %add3A_80 : vector<16xi32>
      %add3A_82 = arith.constant 16 : i32
      %add3A_83 = vector.broadcast %add3A_82 : i32 to vector<16xi32>
      %add3A_84 = arith.addi %add3A_81, %add3A_83 : vector<16xi32>
      %swap3A_85 = arith.constant 1 : i32
      %swap3A_86 = arith.index_cast %swap3A_85 : i32 to index
      %swap3A_87 = arith.constant 0 : index
      %swap3A_88 = tpu.vector_load %arg11[%swap3A_86, %swap3A_87] {strides = array<i32>} : memref<5x16xi32, #tpu.memory_space<vmem>>, vector<16xi32>,
      tpu.vector_store %arg11[%swap3A_86, %swap3A_87], %add3A_84 {strides = array<i32>} : memref<5x16xi32, #tpu.memory_space<vmem>>, vector<16xi32>,
      %add3A_89 = vector.broadcast %add3A_71 : i32 to vector<16xi32>
      %add3A_90 = arith.addi %iota3A, %add3A_89 : vector<16xi32>
      %add3A_91 = arith.constant 32 : i32
      %add3A_92 = vector.broadcast %add3A_91 : i32 to vector<16xi32>
      %add3A_93 = arith.addi %add3A_90, %add3A_92 : vector<16xi32>
      %swap3A_94 = arith.constant 2 : i32
      %swap3A_95 = arith.index_cast %swap3A_94 : i32 to index
      %swap3A_96 = arith.constant 0 : index
      %swap3A_97 = tpu.vector_load %arg11[%swap3A_95, %swap3A_96] {strides = array<i32>} : memref<5x16xi32, #tpu.memory_space<vmem>>, vector<16xi32>,
      tpu.vector_store %arg11[%swap3A_95, %swap3A_96], %add3A_93 {strides = array<i32>} : memref<5x16xi32, #tpu.memory_space<vmem>>, vector<16xi32>,
      %add3A_98 = vector.broadcast %add3A_71 : i32 to vector<16xi32>
      %add3A_99 = arith.addi %iota3A, %add3A_98 : vector<16xi32>
      %add3A_100 = arith.constant 48 : i32
      %add3A_101 = vector.broadcast %add3A_100 : i32 to vector<16xi32>
      %add3A_102 = arith.addi %add3A_99, %add3A_101 : vector<16xi32>
      %swap3A_103 = arith.constant 3 : i32
      %swap3A_104 = arith.index_cast %swap3A_103 : i32 to index
      %swap3A_105 = arith.constant 0 : index
      %swap3A_106 = tpu.vector_load %arg11[%swap3A_104, %swap3A_105] {strides = array<i32>} : memref<5x16xi32, #tpu.memory_space<vmem>>, vector<16xi32>,
      tpu.vector_store %arg11[%swap3A_104, %swap3A_105], %add3A_102 {strides = array<i32>} : memref<5x16xi32, #tpu.memory_space<vmem>>, vector<16xi32>,
      %add3A_107 = vector.broadcast %add3A_71 : i32 to vector<16xi32>
      %add3A_108 = arith.addi %iota3A, %add3A_107 : vector<16xi32>
      %add3A_109 = arith.constant 64 : i32
      %add3A_110 = vector.broadcast %add3A_109 : i32 to vector<16xi32>
      %add3A_111 = arith.addi %add3A_108, %add3A_110 : vector<16xi32>
      %swap3A_112 = arith.constant 4 : i32
      %swap3A_113 = arith.index_cast %swap3A_112 : i32 to index
      %swap3A_114 = arith.constant 0 : index
      %swap3A_115 = tpu.vector_load %arg11[%swap3A_113, %swap3A_114] {strides = array<i32>} : memref<5x16xi32, #tpu.memory_space<vmem>>, vector<16xi32>,
      tpu.vector_store %arg11[%swap3A_113, %swap3A_114], %add3A_111 {strides = array<i32>} : memref<5x16xi32, #tpu.memory_space<vmem>>, vector<16xi32>,
      %run_scoped3A = arith.constant 0 : i32
      "tpu.region"() ({
        %run_scoped3A_120 = tpu.sem_alloc : memref<!tpu.dma_semaphore, #tpu.memory_space<semaphore_mem>>
        %dma_start3A = arith.constant 0 : i32
        %dma_start3A_121 = tpu.memref_slice %arg11[%run_scoped3A, %dma_start3A] : memref<5x16xi32, #tpu.memory_space<vmem>> -> memref<1x16xi32, #tpu.memory_space<vmem>>
        %dma_start3A_122 = tpu.memref_squeeze %dma_start3A_121 : memref<1x16xi32, #tpu.memory_space<vmem>> -> memref<16xi32, #tpu.memory_space<vmem>>
        %dma_start3A_123 = arith.constant 0 : i32
        %dma_start3A_124 = arith.constant 0 : i32
        %dma_start3A_125 = tpu.memref_slice %arg14[%dma_start3A_123, %dma_start3A_124] : memref<10000x128xf32, #tpu.memory_space<vmem_shared>> -> memref<10000x128xf32, #tpu.memory_space<vmem_shared>>
        tpu.enqueue_indirect_dma source(%arg10 : memref<16x128xf32, #tpu.memory_space<vmem>>) target(%dma_start3A_125 : memref<10000x128xf32, #tpu.memory_space<vmem_shared>>) offsets(%dma_start3A_122 : memref<16xi32, #tpu.memory_space<vmem>>) semaphore(%run_scoped3A_120 : memref<!tpu.dma_semaphore, #tpu.memory_space<semaphore_mem>>)
        %dma_wait3A = arith.constant 0 : i32
        %dma_wait3A_126 = tpu.memref_slice %arg11[%run_scoped3A, %dma_wait3A] : memref<5x16xi32, #tpu.memory_space<vmem>> -> memref<1x16xi32, #tpu.memory_space<vmem>>
        %dma_wait3A_127 = tpu.memref_squeeze %dma_wait3A_126 : memref<1x16xi32, #tpu.memory_space<vmem>> -> memref<16xi32, #tpu.memory_space<vmem>>
        %dma_wait3A_128 = arith.constant 0 : i32
        %dma_wait3A_129 = arith.constant 0 : i32
        %dma_wait3A_130 = tpu.memref_slice %arg14[%dma_wait3A_128, %dma_wait3A_129] : memref<10000x128xf32, #tpu.memory_space<vmem_shared>> -> memref<10000x128xf32, #tpu.memory_space<vmem_shared>>
        tpu.wait_indirect_dma semaphore(%run_scoped3A_120 : memref<!tpu.dma_semaphore, #tpu.memory_space<semaphore_mem>>) src(%arg10 : memref<16x128xf32, #tpu.memory_space<vmem>>) dst(%dma_wait3A_130 : memref<10000x128xf32, #tpu.memory_space<vmem_shared>>)
        tpu.yield
      }) : () -> ()
      %run_scoped3A_116 = arith.constant 1 : i32
      "tpu.region"() ({
        %run_scoped3A_120 = tpu.sem_alloc : memref<!tpu.dma_semaphore, #tpu.memory_space<semaphore_mem>>
        %dma_start3A = arith.constant 0 : i32
        %dma_start3A_121 = tpu.memref_slice %arg11[%run_scoped3A_116, %dma_start3A] : memref<5x16xi32, #tpu.memory_space<vmem>> -> memref<1x16xi32, #tpu.memory_space<vmem>>
        %dma_start3A_122 = tpu.memref_squeeze %dma_start3A_121 : memref<1x16xi32, #tpu.memory_space<vmem>> -> memref<16xi32, #tpu.memory_space<vmem>>
        %dma_start3A_123 = arith.constant 0 : i32
        %dma_start3A_124 = arith.constant 0 : i32
        %dma_start3A_125 = tpu.memref_slice %arg14[%dma_start3A_123, %dma_start3A_124] : memref<10000x128xf32, #tpu.memory_space<vmem_shared>> -> memref<10000x128xf32, #tpu.memory_space<vmem_shared>>
        tpu.enqueue_indirect_dma source(%arg10 : memref<16x128xf32, #tpu.memory_space<vmem>>) target(%dma_start3A_125 : memref<10000x128xf32, #tpu.memory_space<vmem_shared>>) offsets(%dma_start3A_122 : memref<16xi32, #tpu.memory_space<vmem>>) semaphore(%run_scoped3A_120 : memref<!tpu.dma_semaphore, #tpu.memory_space<semaphore_mem>>)
        %dma_wait3A = arith.constant 0 : i32
        %dma_wait3A_126 = tpu.memref_slice %arg11[%run_scoped3A_116, %dma_wait3A] : memref<5x16xi32, #tpu.memory_space<vmem>> -> memref<1x16xi32, #tpu.memory_space<vmem>>
        %dma_wait3A_127 = tpu.memref_squeeze %dma_wait3A_126 : memref<1x16xi32, #tpu.memory_space<vmem>> -> memref<16xi32, #tpu.memory_space<vmem>>
        %dma_wait3A_128 = arith.constant 0 : i32
        %dma_wait3A_129 = arith.constant 0 : i32
        %dma_wait3A_130 = tpu.memref_slice %arg14[%dma_wait3A_128, %dma_wait3A_129] : memref<10000x128xf32, #tpu.memory_space<vmem_shared>> -> memref<10000x128xf32, #tpu.memory_space<vmem_shared>>
        tpu.wait_indirect_dma semaphore(%run_scoped3A_120 : memref<!tpu.dma_semaphore, #tpu.memory_space<semaphore_mem>>) src(%arg10 : memref<16x128xf32, #tpu.memory_space<vmem>>) dst(%dma_wait3A_130 : memref<10000x128xf32, #tpu.memory_space<vmem_shared>>)
        tpu.yield
      }) : () -> ()
      %run_scoped3A_117 = arith.constant 2 : i32
      "tpu.region"() ({
        %run_scoped3A_120 = tpu.sem_alloc : memref<!tpu.dma_semaphore, #tpu.memory_space<semaphore_mem>>
        %dma_start3A = arith.constant 0 : i32
        %dma_start3A_121 = tpu.memref_slice %arg11[%run_scoped3A_117, %dma_start3A] : memref<5x16xi32, #tpu.memory_space<vmem>> -> memref<1x16xi32, #tpu.memory_space<vmem>>
        %dma_start3A_122 = tpu.memref_squeeze %dma_start3A_121 : memref<1x16xi32, #tpu.memory_space<vmem>> -> memref<16xi32, #tpu.memory_space<vmem>>
        %dma_start3A_123 = arith.constant 0 : i32
        %dma_start3A_124 = arith.constant 0 : i32
        %dma_start3A_125 = tpu.memref_slice %arg14[%dma_start3A_123, %dma_start3A_124] : memref<10000x128xf32, #tpu.memory_space<vmem_shared>> -> memref<10000x128xf32, #tpu.memory_space<vmem_shared>>
        tpu.enqueue_indirect_dma source(%arg10 : memref<16x128xf32, #tpu.memory_space<vmem>>) target(%dma_start3A_125 : memref<10000x128xf32, #tpu.memory_space<vmem_shared>>) offsets(%dma_start3A_122 : memref<16xi32, #tpu.memory_space<vmem>>) semaphore(%run_scoped3A_120 : memref<!tpu.dma_semaphore, #tpu.memory_space<semaphore_mem>>)
        %dma_wait3A = arith.constant 0 : i32
        %dma_wait3A_126 = tpu.memref_slice %arg11[%run_scoped3A_117, %dma_wait3A] : memref<5x16xi32, #tpu.memory_space<vmem>> -> memref<1x16xi32, #tpu.memory_space<vmem>>
        %dma_wait3A_127 = tpu.memref_squeeze %dma_wait3A_126 : memref<1x16xi32, #tpu.memory_space<vmem>> -> memref<16xi32, #tpu.memory_space<vmem>>
        %dma_wait3A_128 = arith.constant 0 : i32
        %dma_wait3A_129 = arith.constant 0 : i32
        %dma_wait3A_130 = tpu.memref_slice %arg14[%dma_wait3A_128, %dma_wait3A_129] : memref<10000x128xf32, #tpu.memory_space<vmem_shared>> -> memref<10000x128xf32, #tpu.memory_space<vmem_shared>>
        tpu.wait_indirect_dma semaphore(%run_scoped3A_120 : memref<!tpu.dma_semaphore, #tpu.memory_space<semaphore_mem>>) src(%arg10 : memref<16x128xf32, #tpu.memory_space<vmem>>) dst(%dma_wait3A_130 : memref<10000x128xf32, #tpu.memory_space<vmem_shared>>)
        tpu.yield
      }) : () -> ()
      %run_scoped3A_118 = arith.constant 3 : i32
      "tpu.region"() ({
        %run_scoped3A_120 = tpu.sem_alloc : memref<!tpu.dma_semaphore, #tpu.memory_space<semaphore_mem>>
        %dma_start3A = arith.constant 0 : i32
        %dma_start3A_121 = tpu.memref_slice %arg11[%run_scoped3A_118, %dma_start3A] : memref<5x16xi32, #tpu.memory_space<vmem>> -> memref<1x16xi32, #tpu.memory_space<vmem>>
        %dma_start3A_122 = tpu.memref_squeeze %dma_start3A_121 : memref<1x16xi32, #tpu.memory_space<vmem>> -> memref<16xi32, #tpu.memory_space<vmem>>
        %dma_start3A_123 = arith.constant 0 : i32
        %dma_start3A_124 = arith.constant 0 : i32
        %dma_start3A_125 = tpu.memref_slice %arg14[%dma_start3A_123, %dma_start3A_124] : memref<10000x128xf32, #tpu.memory_space<vmem_shared>> -> memref<10000x128xf32, #tpu.memory_space<vmem_shared>>
        tpu.enqueue_indirect_dma source(%arg10 : memref<16x128xf32, #tpu.memory_space<vmem>>) target(%dma_start3A_125 : memref<10000x128xf32, #tpu.memory_space<vmem_shared>>) offsets(%dma_start3A_122 : memref<16xi32, #tpu.memory_space<vmem>>) semaphore(%run_scoped3A_120 : memref<!tpu.dma_semaphore, #tpu.memory_space<semaphore_mem>>)
        %dma_wait3A = arith.constant 0 : i32
        %dma_wait3A_126 = tpu.memref_slice %arg11[%run_scoped3A_118, %dma_wait3A] : memref<5x16xi32, #tpu.memory_space<vmem>> -> memref<1x16xi32, #tpu.memory_space<vmem>>
        %dma_wait3A_127 = tpu.memref_squeeze %dma_wait3A_126 : memref<1x16xi32, #tpu.memory_space<vmem>> -> memref<16xi32, #tpu.memory_space<vmem>>
        %dma_wait3A_128 = arith.constant 0 : i32
        %dma_wait3A_129 = arith.constant 0 : i32
        %dma_wait3A_130 = tpu.memref_slice %arg14[%dma_wait3A_128, %dma_wait3A_129] : memref<10000x128xf32, #tpu.memory_space<vmem_shared>> -> memref<10000x128xf32, #tpu.memory_space<vmem_shared>>
        tpu.wait_indirect_dma semaphore(%run_scoped3A_120 : memref<!tpu.dma_semaphore, #tpu.memory_space<semaphore_mem>>) src(%arg10 : memref<16x128xf32, #tpu.memory_space<vmem>>) dst(%dma_wait3A_130 : memref<10000x128xf32, #tpu.memory_space<vmem_shared>>)
        tpu.yield
      }) : () -> ()
      %run_scoped3A_119 = arith.constant 4 : i32
      "tpu.region"() ({
        %run_scoped3A_120 = tpu.sem_alloc : memref<!tpu.dma_semaphore, #tpu.memory_space<semaphore_mem>>
        %dma_start3A = arith.constant 0 : i32
        %dma_start3A_121 = tpu.memref_slice %arg11[%run_scoped3A_119, %dma_start3A] : memref<5x16xi32, #tpu.memory_space<vmem>> -> memref<1x16xi32, #tpu.memory_space<vmem>>
        %dma_start3A_122 = tpu.memref_squeeze %dma_start3A_121 : memref<1x16xi32, #tpu.memory_space<vmem>> -> memref<16xi32, #tpu.memory_space<vmem>>
        %dma_start3A_123 = arith.constant 0 : i32
        %dma_start3A_124 = arith.constant 0 : i32
        %dma_start3A_125 = tpu.memref_slice %arg14[%dma_start3A_123, %dma_start3A_124] : memref<10000x128xf32, #tpu.memory_space<vmem_shared>> -> memref<10000x128xf32, #tpu.memory_space<vmem_shared>>
        tpu.enqueue_indirect_dma source(%arg10 : memref<16x128xf32, #tpu.memory_space<vmem>>) target(%dma_start3A_125 : memref<10000x128xf32, #tpu.memory_space<vmem_shared>>) offsets(%dma_start3A_122 : memref<16xi32, #tpu.memory_space<vmem>>) semaphore(%run_scoped3A_120 : memref<!tpu.dma_semaphore, #tpu.memory_space<semaphore_mem>>)
        %dma_wait3A = arith.constant 0 : i32
        %dma_wait3A_126 = tpu.memref_slice %arg11[%run_scoped3A_119, %dma_wait3A] : memref<5x16xi32, #tpu.memory_space<vmem>> -> memref<1x16xi32, #tpu.memory_space<vmem>>
        %dma_wait3A_127 = tpu.memref_squeeze %dma_wait3A_126 : memref<1x16xi32, #tpu.memory_space<vmem>> -> memref<16xi32, #tpu.memory_space<vmem>>
        %dma_wait3A_128 = arith.constant 0 : i32
        %dma_wait3A_129 = arith.constant 0 : i32
        %dma_wait3A_130 = tpu.memref_slice %arg14[%dma_wait3A_128, %dma_wait3A_129] : memref<10000x128xf32, #tpu.memory_space<vmem_shared>> -> memref<10000x128xf32, #tpu.memory_space<vmem_shared>>
        tpu.wait_indirect_dma semaphore(%run_scoped3A_120 : memref<!tpu.dma_semaphore, #tpu.memory_space<semaphore_mem>>) src(%arg10 : memref<16x128xf32, #tpu.memory_space<vmem>>) dst(%dma_wait3A_130 : memref<10000x128xf32, #tpu.memory_space<vmem_shared>>)
        tpu.yield
      }) : () -> ()
    }
    %barrier3A = arith.constant 0 : index
    tpu.barrier barrier_id(%barrier3A)
    %while3A_41 = arith.constant 0 : i32
    %while3A_42 = arith.constant 0 : i32
    %while3A_43 = arith.constant 25 : i32
    %while3A_44 = arith.subi %while3A_43, %while3A_42 : i32
    %while3A_45 = arith.addi %while3A_42, %while3A_44 : i32
    %while3A_46 = arith.constant 1 : i32
    %while3A_47 = arith.divsi %while3A_44, %while3A_46 : i32
    %while3A_48 = arith.muli %while3A_47, %while3A_46 : i32
    %while3A_49 = arith.addi %while3A_42, %while3A_48 : i32
    %while3A_50 = arith.constant 1 : i32
    scf.for %while3A_64 = %while3A_42 to %while3A_49 step %while3A_50  : i32 {
      %mul3A_65 = arith.constant 1 : i32
      %mul3A_66 = arith.muli %while3A_64, %mul3A_65 : i32
      %add3A_67 = arith.constant 0 : i32
      %add3A_68 = arith.addi %add3A_67, %mul3A_66 : i32
      %mul3A_69 = arith.constant 25 : i32
      %mul3A_70 = arith.muli %add3A, %mul3A_69 : i32
      %add3A_71 = arith.addi %mul3A_70, %add3A_68 : i32
      "tpu.region"() ({
        %run_scoped3A_268 = tpu.sem_alloc : memref<!tpu.dma_semaphore, #tpu.memory_space<semaphore_mem>>
        %dma_start3A_269 = arith.constant 0 : i32
        %dma_start3A_270 = arith.constant 0 : i32
        %dma_start3A_271 = tpu.memref_slice %arg3[%add3A_71, %dma_start3A_269, %dma_start3A_270] : memref<800x5x80xi32, #tpu.memory_space<hbm>> -> memref<1x5x80xi32, #tpu.memory_space<hbm>>
        %dma_start3A_272 = tpu.memref_squeeze %dma_start3A_271 : memref<1x5x80xi32, #tpu.memory_space<hbm>> -> memref<5x80xi32, #tpu.memory_space<hbm>>
        %dma_start3A_273 = arith.constant 0 : i32
        %dma_start3A_274 = arith.constant 0 : i32
        %dma_start3A_275 = tpu.memref_slice %arg3[%add3A_71, %dma_start3A_273, %dma_start3A_274] : memref<800x5x80xi32, #tpu.memory_space<hbm>> -> memref<1x5x80xi32, #tpu.memory_space<hbm>>
        %dma_start3A_276 = tpu.memref_squeeze %dma_start3A_275 : memref<1x5x80xi32, #tpu.memory_space<hbm>> -> memref<5x80xi32, #tpu.memory_space<hbm>>
        tpu.enqueue_dma source(%dma_start3A_276 : memref<5x80xi32, #tpu.memory_space<hbm>>) target(%arg7 : memref<5x80xi32, #tpu.memory_space<vmem>>) target_semaphore(%run_scoped3A_268 : memref<!tpu.dma_semaphore, #tpu.memory_space<semaphore_mem>>)
        %dma_wait3A_277 = arith.constant 0 : i32
        %dma_wait3A_278 = arith.constant 0 : i32
        %dma_wait3A_279 = tpu.memref_slice %arg3[%add3A_71, %dma_wait3A_277, %dma_wait3A_278] : memref<800x5x80xi32, #tpu.memory_space<hbm>> -> memref<1x5x80xi32, #tpu.memory_space<hbm>>
        %dma_wait3A_280 = tpu.memref_squeeze %dma_wait3A_279 : memref<1x5x80xi32, #tpu.memory_space<hbm>> -> memref<5x80xi32, #tpu.memory_space<hbm>>
        %dma_wait3A_281 = arith.constant 0 : i32
        %dma_wait3A_282 = arith.constant 0 : i32
        %dma_wait3A_283 = tpu.memref_slice %arg3[%add3A_71, %dma_wait3A_281, %dma_wait3A_282] : memref<800x5x80xi32, #tpu.memory_space<hbm>> -> memref<1x5x80xi32, #tpu.memory_space<hbm>>
        %dma_wait3A_284 = tpu.memref_squeeze %dma_wait3A_283 : memref<1x5x80xi32, #tpu.memory_space<hbm>> -> memref<5x80xi32, #tpu.memory_space<hbm>>
        tpu.wait_dma2 semaphore(%run_scoped3A_268 : memref<!tpu.dma_semaphore, #tpu.memory_space<semaphore_mem>>) src(%dma_wait3A_284 : memref<5x80xi32, #tpu.memory_space<hbm>>) dst(%arg7 : memref<5x80xi32, #tpu.memory_space<vmem>>)
        tpu.yield
      }) : () -> ()
      "tpu.region"() ({
        %run_scoped3A_268 = tpu.sem_alloc : memref<!tpu.dma_semaphore, #tpu.memory_space<semaphore_mem>>
        %dma_start3A_269 = arith.constant 0 : i32
        %dma_start3A_270 = arith.constant 0 : i32
        %dma_start3A_271 = tpu.memref_slice %arg4[%add3A_71, %dma_start3A_269, %dma_start3A_270] : memref<800x5x80xi32, #tpu.memory_space<hbm>> -> memref<1x5x80xi32, #tpu.memory_space<hbm>>
        %dma_start3A_272 = tpu.memref_squeeze %dma_start3A_271 : memref<1x5x80xi32, #tpu.memory_space<hbm>> -> memref<5x80xi32, #tpu.memory_space<hbm>>
        %dma_start3A_273 = arith.constant 0 : i32
        %dma_start3A_274 = arith.constant 0 : i32
        %dma_start3A_275 = tpu.memref_slice %arg4[%add3A_71, %dma_start3A_273, %dma_start3A_274] : memref<800x5x80xi32, #tpu.memory_space<hbm>> -> memref<1x5x80xi32, #tpu.memory_space<hbm>>
        %dma_start3A_276 = tpu.memref_squeeze %dma_start3A_275 : memref<1x5x80xi32, #tpu.memory_space<hbm>> -> memref<5x80xi32, #tpu.memory_space<hbm>>
        tpu.enqueue_dma source(%dma_start3A_276 : memref<5x80xi32, #tpu.memory_space<hbm>>) target(%arg8 : memref<5x80xi32, #tpu.memory_space<vmem>>) target_semaphore(%run_scoped3A_268 : memref<!tpu.dma_semaphore, #tpu.memory_space<semaphore_mem>>)
        %dma_wait3A_277 = arith.constant 0 : i32
        %dma_wait3A_278 = arith.constant 0 : i32
        %dma_wait3A_279 = tpu.memref_slice %arg4[%add3A_71, %dma_wait3A_277, %dma_wait3A_278] : memref<800x5x80xi32, #tpu.memory_space<hbm>> -> memref<1x5x80xi32, #tpu.memory_space<hbm>>
        %dma_wait3A_280 = tpu.memref_squeeze %dma_wait3A_279 : memref<1x5x80xi32, #tpu.memory_space<hbm>> -> memref<5x80xi32, #tpu.memory_space<hbm>>
        %dma_wait3A_281 = arith.constant 0 : i32
        %dma_wait3A_282 = arith.constant 0 : i32
        %dma_wait3A_283 = tpu.memref_slice %arg4[%add3A_71, %dma_wait3A_281, %dma_wait3A_282] : memref<800x5x80xi32, #tpu.memory_space<hbm>> -> memref<1x5x80xi32, #tpu.memory_space<hbm>>
        %dma_wait3A_284 = tpu.memref_squeeze %dma_wait3A_283 : memref<1x5x80xi32, #tpu.memory_space<hbm>> -> memref<5x80xi32, #tpu.memory_space<hbm>>
        tpu.wait_dma2 semaphore(%run_scoped3A_268 : memref<!tpu.dma_semaphore, #tpu.memory_space<semaphore_mem>>) src(%dma_wait3A_284 : memref<5x80xi32, #tpu.memory_space<hbm>>) dst(%arg8 : memref<5x80xi32, #tpu.memory_space<vmem>>)
        tpu.yield
      }) : () -> ()
      %dma_start3A = arith.constant 0 : i32
      %dma_start3A_72 = arith.constant 0 : i32
      %dma_start3A_73 = tpu.memref_slice %arg7[%dma_start3A, %dma_start3A_72] : memref<5x80xi32, #tpu.memory_space<vmem>> -> memref<1x80xi32, #tpu.memory_space<vmem>>
      %dma_start3A_74 = tpu.memref_squeeze %dma_start3A_73 : memref<1x80xi32, #tpu.memory_space<vmem>> -> memref<80xi32, #tpu.memory_space<vmem>>
      %dma_start3A_75 = arith.constant 0 : i32
      %dma_start3A_76 = arith.constant 0 : i32
      %dma_start3A_77 = tpu.memref_slice %arg2[%dma_start3A_75, %dma_start3A_76] : memref<10000x128xf32, #tpu.memory_space<hbm>> -> memref<10000x128xf32, #tpu.memory_space<hbm>>
      tpu.enqueue_indirect_dma source(%dma_start3A_77 : memref<10000x128xf32, #tpu.memory_space<hbm>>) target(%arg9 : memref<80x128xf32, #tpu.memory_space<vmem>>) offsets(%dma_start3A_74 : memref<80xi32, #tpu.memory_space<vmem>>) semaphore(%arg15 : memref<!tpu.dma_semaphore, #tpu.memory_space<semaphore_mem>>)
      %dma_wait3A = arith.constant 0 : i32
      %dma_wait3A_78 = arith.constant 0 : i32
      %dma_wait3A_79 = tpu.memref_slice %arg7[%dma_wait3A, %dma_wait3A_78] : memref<5x80xi32, #tpu.memory_space<vmem>> -> memref<1x80xi32, #tpu.memory_space<vmem>>
      %dma_wait3A_80 = tpu.memref_squeeze %dma_wait3A_79 : memref<1x80xi32, #tpu.memory_space<vmem>> -> memref<80xi32, #tpu.memory_space<vmem>>
      %dma_wait3A_81 = arith.constant 0 : i32
      %dma_wait3A_82 = arith.constant 0 : i32
      %dma_wait3A_83 = tpu.memref_slice %arg2[%dma_wait3A_81, %dma_wait3A_82] : memref<10000x128xf32, #tpu.memory_space<hbm>> -> memref<10000x128xf32, #tpu.memory_space<hbm>>
      tpu.wait_indirect_dma semaphore(%arg15 : memref<!tpu.dma_semaphore, #tpu.memory_space<semaphore_mem>>) src(%dma_wait3A_83 : memref<10000x128xf32, #tpu.memory_space<hbm>>) dst(%arg9 : memref<80x128xf32, #tpu.memory_space<vmem>>)
      %run_scoped3A = arith.constant 0 : i32
      "tpu.region"() ({
        %run_scoped3A_268 = tpu.sem_alloc : memref<!tpu.dma_semaphore, #tpu.memory_space<semaphore_mem>>
        %dma_start3A_269 = arith.constant 0 : i32
        %dma_start3A_270 = tpu.memref_slice %arg8[%run_scoped3A, %dma_start3A_269] : memref<5x80xi32, #tpu.memory_space<vmem>> -> memref<1x80xi32, #tpu.memory_space<vmem>>
        %dma_start3A_271 = tpu.memref_squeeze %dma_start3A_270 : memref<1x80xi32, #tpu.memory_space<vmem>> -> memref<80xi32, #tpu.memory_space<vmem>>
        %dma_start3A_272 = arith.constant 0 : i32
        %dma_start3A_273 = arith.constant 0 : i32
        %dma_start3A_274 = tpu.memref_slice %arg14[%dma_start3A_272, %dma_start3A_273] : memref<10000x128xf32, #tpu.memory_space<vmem_shared>> -> memref<10000x128xf32, #tpu.memory_space<vmem_shared>>
        tpu.enqueue_indirect_dma source(%arg9 : memref<80x128xf32, #tpu.memory_space<vmem>>) target(%dma_start3A_274 : memref<10000x128xf32, #tpu.memory_space<vmem_shared>>) offsets(%dma_start3A_271 : memref<80xi32, #tpu.memory_space<vmem>>) semaphore(%run_scoped3A_268 : memref<!tpu.dma_semaphore, #tpu.memory_space<semaphore_mem>>) {add = true}
        %dma_wait3A_275 = arith.constant 0 : i32
        %dma_wait3A_276 = tpu.memref_slice %arg8[%run_scoped3A, %dma_wait3A_275] : memref<5x80xi32, #tpu.memory_space<vmem>> -> memref<1x80xi32, #tpu.memory_space<vmem>>
        %dma_wait3A_277 = tpu.memref_squeeze %dma_wait3A_276 : memref<1x80xi32, #tpu.memory_space<vmem>> -> memref<80xi32, #tpu.memory_space<vmem>>
        %dma_wait3A_278 = arith.constant 0 : i32
        %dma_wait3A_279 = arith.constant 0 : i32
        %dma_wait3A_280 = tpu.memref_slice %arg14[%dma_wait3A_278, %dma_wait3A_279] : memref<10000x128xf32, #tpu.memory_space<vmem_shared>> -> memref<10000x128xf32, #tpu.memory_space<vmem_shared>>
        tpu.wait_indirect_dma semaphore(%run_scoped3A_268 : memref<!tpu.dma_semaphore, #tpu.memory_space<semaphore_mem>>) src(%arg9 : memref<80x128xf32, #tpu.memory_space<vmem>>) dst(%dma_wait3A_280 : memref<10000x128xf32, #tpu.memory_space<vmem_shared>>)
        tpu.yield
      }) : () -> ()
      %get3A = arith.constant 0 : i32
      %get3A_84 = arith.constant 0 : i32
      %get3A_85 = arith.index_cast %get3A : i32 to index
      %get3A_86 = arith.index_cast %get3A_84 : i32 to index
      %get3A_87 = tpu.vector_load %arg8[%get3A_85, %get3A_86] {strides = array<i32>} : memref<5x80xi32, #tpu.memory_space<vmem>>, vector<16xi32>,
      tpu.vector_store_idx %arg13[%broadcast_in_dim3A_3, %get3A_87], %broadcast_in_dim3A_5 {add = true} : memref<1x10000xf32, #tpu.memory_space<vmem>>[vector<16xi32>, vector<16xi32>], vector<16xf32>,
      %get3A_88 = arith.constant 0 : i32
      %get3A_89 = arith.constant 16 : i32
      %get3A_90 = arith.index_cast %get3A_88 : i32 to index
      %get3A_91 = arith.index_cast %get3A_89 : i32 to index
      %get3A_92 = tpu.vector_load %arg8[%get3A_90, %get3A_91] {strides = array<i32>} : memref<5x80xi32, #tpu.memory_space<vmem>>, vector<16xi32>,
      tpu.vector_store_idx %arg13[%broadcast_in_dim3A_3, %get3A_92], %broadcast_in_dim3A_5 {add = true} : memref<1x10000xf32, #tpu.memory_space<vmem>>[vector<16xi32>, vector<16xi32>], vector<16xf32>,
      %get3A_93 = arith.constant 0 : i32
      %get3A_94 = arith.constant 32 : i32
      %get3A_95 = arith.index_cast %get3A_93 : i32 to index
      %get3A_96 = arith.index_cast %get3A_94 : i32 to index
      %get3A_97 = tpu.vector_load %arg8[%get3A_95, %get3A_96] {strides = array<i32>} : memref<5x80xi32, #tpu.memory_space<vmem>>, vector<16xi32>,
      tpu.vector_store_idx %arg13[%broadcast_in_dim3A_3, %get3A_97], %broadcast_in_dim3A_5 {add = true} : memref<1x10000xf32, #tpu.memory_space<vmem>>[vector<16xi32>, vector<16xi32>], vector<16xf32>,
      %get3A_98 = arith.constant 0 : i32
      %get3A_99 = arith.constant 48 : i32
      %get3A_100 = arith.index_cast %get3A_98 : i32 to index
      %get3A_101 = arith.index_cast %get3A_99 : i32 to index
      %get3A_102 = tpu.vector_load %arg8[%get3A_100, %get3A_101] {strides = array<i32>} : memref<5x80xi32, #tpu.memory_space<vmem>>, vector<16xi32>,
      tpu.vector_store_idx %arg13[%broadcast_in_dim3A_3, %get3A_102], %broadcast_in_dim3A_5 {add = true} : memref<1x10000xf32, #tpu.memory_space<vmem>>[vector<16xi32>, vector<16xi32>], vector<16xf32>,
      %get3A_103 = arith.constant 0 : i32
      %get3A_104 = arith.constant 64 : i32
      %get3A_105 = arith.index_cast %get3A_103 : i32 to index
      %get3A_106 = arith.index_cast %get3A_104 : i32 to index
      %get3A_107 = tpu.vector_load %arg8[%get3A_105, %get3A_106] {strides = array<i32>} : memref<5x80xi32, #tpu.memory_space<vmem>>, vector<16xi32>,
      tpu.vector_store_idx %arg13[%broadcast_in_dim3A_3, %get3A_107], %broadcast_in_dim3A_5 {add = true} : memref<1x10000xf32, #tpu.memory_space<vmem>>[vector<16xi32>, vector<16xi32>], vector<16xf32>,
      %dma_start3A_108 = arith.constant 1 : i32
      %dma_start3A_109 = arith.constant 0 : i32
      %dma_start3A_110 = tpu.memref_slice %arg7[%dma_start3A_108, %dma_start3A_109] : memref<5x80xi32, #tpu.memory_space<vmem>> -> memref<1x80xi32, #tpu.memory_space<vmem>>
      %dma_start3A_111 = tpu.memref_squeeze %dma_start3A_110 : memref<1x80xi32, #tpu.memory_space<vmem>> -> memref<80xi32, #tpu.memory_space<vmem>>
      %dma_start3A_112 = arith.constant 0 : i32
      %dma_start3A_113 = arith.constant 0 : i32
      %dma_start3A_114 = tpu.memref_slice %arg2[%dma_start3A_112, %dma_start3A_113] : memref<10000x128xf32, #tpu.memory_space<hbm>> -> memref<10000x128xf32, #tpu.memory_space<hbm>>
      tpu.enqueue_indirect_dma source(%dma_start3A_114 : memref<10000x128xf32, #tpu.memory_space<hbm>>) target(%arg9 : memref<80x128xf32, #tpu.memory_space<vmem>>) offsets(%dma_start3A_111 : memref<80xi32, #tpu.memory_space<vmem>>) semaphore(%arg15 : memref<!tpu.dma_semaphore, #tpu.memory_space<semaphore_mem>>)
      %dma_wait3A_115 = arith.constant 1 : i32
      %dma_wait3A_116 = arith.constant 0 : i32
      %dma_wait3A_117 = tpu.memref_slice %arg7[%dma_wait3A_115, %dma_wait3A_116] : memref<5x80xi32, #tpu.memory_space<vmem>> -> memref<1x80xi32, #tpu.memory_space<vmem>>
      %dma_wait3A_118 = tpu.memref_squeeze %dma_wait3A_117 : memref<1x80xi32, #tpu.memory_space<vmem>> -> memref<80xi32, #tpu.memory_space<vmem>>
      %dma_wait3A_119 = arith.constant 0 : i32
      %dma_wait3A_120 = arith.constant 0 : i32
      %dma_wait3A_121 = tpu.memref_slice %arg2[%dma_wait3A_119, %dma_wait3A_120] : memref<10000x128xf32, #tpu.memory_space<hbm>> -> memref<10000x128xf32, #tpu.memory_space<hbm>>
      tpu.wait_indirect_dma semaphore(%arg15 : memref<!tpu.dma_semaphore, #tpu.memory_space<semaphore_mem>>) src(%dma_wait3A_121 : memref<10000x128xf32, #tpu.memory_space<hbm>>) dst(%arg9 : memref<80x128xf32, #tpu.memory_space<vmem>>)
      %run_scoped3A_122 = arith.constant 1 : i32
      "tpu.region"() ({
        %run_scoped3A_268 = tpu.sem_alloc : memref<!tpu.dma_semaphore, #tpu.memory_space<semaphore_mem>>
        %dma_start3A_269 = arith.constant 0 : i32
        %dma_start3A_270 = tpu.memref_slice %arg8[%run_scoped3A_122, %dma_start3A_269] : memref<5x80xi32, #tpu.memory_space<vmem>> -> memref<1x80xi32, #tpu.memory_space<vmem>>
        %dma_start3A_271 = tpu.memref_squeeze %dma_start3A_270 : memref<1x80xi32, #tpu.memory_space<vmem>> -> memref<80xi32, #tpu.memory_space<vmem>>
        %dma_start3A_272 = arith.constant 0 : i32
        %dma_start3A_273 = arith.constant 0 : i32
        %dma_start3A_274 = tpu.memref_slice %arg14[%dma_start3A_272, %dma_start3A_273] : memref<10000x128xf32, #tpu.memory_space<vmem_shared>> -> memref<10000x128xf32, #tpu.memory_space<vmem_shared>>
        tpu.enqueue_indirect_dma source(%arg9 : memref<80x128xf32, #tpu.memory_space<vmem>>) target(%dma_start3A_274 : memref<10000x128xf32, #tpu.memory_space<vmem_shared>>) offsets(%dma_start3A_271 : memref<80xi32, #tpu.memory_space<vmem>>) semaphore(%run_scoped3A_268 : memref<!tpu.dma_semaphore, #tpu.memory_space<semaphore_mem>>) {add = true}
        %dma_wait3A_275 = arith.constant 0 : i32
        %dma_wait3A_276 = tpu.memref_slice %arg8[%run_scoped3A_122, %dma_wait3A_275] : memref<5x80xi32, #tpu.memory_space<vmem>> -> memref<1x80xi32, #tpu.memory_space<vmem>>
        %dma_wait3A_277 = tpu.memref_squeeze %dma_wait3A_276 : memref<1x80xi32, #tpu.memory_space<vmem>> -> memref<80xi32, #tpu.memory_space<vmem>>
        %dma_wait3A_278 = arith.constant 0 : i32
        %dma_wait3A_279 = arith.constant 0 : i32
        %dma_wait3A_280 = tpu.memref_slice %arg14[%dma_wait3A_278, %dma_wait3A_279] : memref<10000x128xf32, #tpu.memory_space<vmem_shared>> -> memref<10000x128xf32, #tpu.memory_space<vmem_shared>>
        tpu.wait_indirect_dma semaphore(%run_scoped3A_268 : memref<!tpu.dma_semaphore, #tpu.memory_space<semaphore_mem>>) src(%arg9 : memref<80x128xf32, #tpu.memory_space<vmem>>) dst(%dma_wait3A_280 : memref<10000x128xf32, #tpu.memory_space<vmem_shared>>)
        tpu.yield
      }) : () -> ()
      %get3A_123 = arith.constant 1 : i32
      %get3A_124 = arith.constant 0 : i32
      %get3A_125 = arith.index_cast %get3A_123 : i32 to index
      %get3A_126 = arith.index_cast %get3A_124 : i32 to index
      %get3A_127 = tpu.vector_load %arg8[%get3A_125, %get3A_126] {strides = array<i32>} : memref<5x80xi32, #tpu.memory_space<vmem>>, vector<16xi32>,
      tpu.vector_store_idx %arg13[%broadcast_in_dim3A_3, %get3A_127], %broadcast_in_dim3A_5 {add = true} : memref<1x10000xf32, #tpu.memory_space<vmem>>[vector<16xi32>, vector<16xi32>], vector<16xf32>,
      %get3A_128 = arith.constant 1 : i32
      %get3A_129 = arith.constant 16 : i32
      %get3A_130 = arith.index_cast %get3A_128 : i32 to index
      %get3A_131 = arith.index_cast %get3A_129 : i32 to index
      %get3A_132 = tpu.vector_load %arg8[%get3A_130, %get3A_131] {strides = array<i32>} : memref<5x80xi32, #tpu.memory_space<vmem>>, vector<16xi32>,
      tpu.vector_store_idx %arg13[%broadcast_in_dim3A_3, %get3A_132], %broadcast_in_dim3A_5 {add = true} : memref<1x10000xf32, #tpu.memory_space<vmem>>[vector<16xi32>, vector<16xi32>], vector<16xf32>,
      %get3A_133 = arith.constant 1 : i32
      %get3A_134 = arith.constant 32 : i32
      %get3A_135 = arith.index_cast %get3A_133 : i32 to index
      %get3A_136 = arith.index_cast %get3A_134 : i32 to index
      %get3A_137 = tpu.vector_load %arg8[%get3A_135, %get3A_136] {strides = array<i32>} : memref<5x80xi32, #tpu.memory_space<vmem>>, vector<16xi32>,
      tpu.vector_store_idx %arg13[%broadcast_in_dim3A_3, %get3A_137], %broadcast_in_dim3A_5 {add = true} : memref<1x10000xf32, #tpu.memory_space<vmem>>[vector<16xi32>, vector<16xi32>], vector<16xf32>,
      %get3A_138 = arith.constant 1 : i32
      %get3A_139 = arith.constant 48 : i32
      %get3A_140 = arith.index_cast %get3A_138 : i32 to index
      %get3A_141 = arith.index_cast %get3A_139 : i32 to index
      %get3A_142 = tpu.vector_load %arg8[%get3A_140, %get3A_141] {strides = array<i32>} : memref<5x80xi32, #tpu.memory_space<vmem>>, vector<16xi32>,
      tpu.vector_store_idx %arg13[%broadcast_in_dim3A_3, %get3A_142], %broadcast_in_dim3A_5 {add = true} : memref<1x10000xf32, #tpu.memory_space<vmem>>[vector<16xi32>, vector<16xi32>], vector<16xf32>,
      %get3A_143 = arith.constant 1 : i32
      %get3A_144 = arith.constant 64 : i32
      %get3A_145 = arith.index_cast %get3A_143 : i32 to index
      %get3A_146 = arith.index_cast %get3A_144 : i32 to index
      %get3A_147 = tpu.vector_load %arg8[%get3A_145, %get3A_146] {strides = array<i32>} : memref<5x80xi32, #tpu.memory_space<vmem>>, vector<16xi32>,
      tpu.vector_store_idx %arg13[%broadcast_in_dim3A_3, %get3A_147], %broadcast_in_dim3A_5 {add = true} : memref<1x10000xf32, #tpu.memory_space<vmem>>[vector<16xi32>, vector<16xi32>], vector<16xf32>,
      %dma_start3A_148 = arith.constant 2 : i32
      %dma_start3A_149 = arith.constant 0 : i32
      %dma_start3A_150 = tpu.memref_slice %arg7[%dma_start3A_148, %dma_start3A_149] : memref<5x80xi32, #tpu.memory_space<vmem>> -> memref<1x80xi32, #tpu.memory_space<vmem>>
      %dma_start3A_151 = tpu.memref_squeeze %dma_start3A_150 : memref<1x80xi32, #tpu.memory_space<vmem>> -> memref<80xi32, #tpu.memory_space<vmem>>
      %dma_start3A_152 = arith.constant 0 : i32
      %dma_start3A_153 = arith.constant 0 : i32
      %dma_start3A_154 = tpu.memref_slice %arg2[%dma_start3A_152, %dma_start3A_153] : memref<10000x128xf32, #tpu.memory_space<hbm>> -> memref<10000x128xf32, #tpu.memory_space<hbm>>
      tpu.enqueue_indirect_dma source(%dma_start3A_154 : memref<10000x128xf32, #tpu.memory_space<hbm>>) target(%arg9 : memref<80x128xf32, #tpu.memory_space<vmem>>) offsets(%dma_start3A_151 : memref<80xi32, #tpu.memory_space<vmem>>) semaphore(%arg15 : memref<!tpu.dma_semaphore, #tpu.memory_space<semaphore_mem>>)
      %dma_wait3A_155 = arith.constant 2 : i32
      %dma_wait3A_156 = arith.constant 0 : i32
      %dma_wait3A_157 = tpu.memref_slice %arg7[%dma_wait3A_155, %dma_wait3A_156] : memref<5x80xi32, #tpu.memory_space<vmem>> -> memref<1x80xi32, #tpu.memory_space<vmem>>
      %dma_wait3A_158 = tpu.memref_squeeze %dma_wait3A_157 : memref<1x80xi32, #tpu.memory_space<vmem>> -> memref<80xi32, #tpu.memory_space<vmem>>
      %dma_wait3A_159 = arith.constant 0 : i32
      %dma_wait3A_160 = arith.constant 0 : i32
      %dma_wait3A_161 = tpu.memref_slice %arg2[%dma_wait3A_159, %dma_wait3A_160] : memref<10000x128xf32, #tpu.memory_space<hbm>> -> memref<10000x128xf32, #tpu.memory_space<hbm>>
      tpu.wait_indirect_dma semaphore(%arg15 : memref<!tpu.dma_semaphore, #tpu.memory_space<semaphore_mem>>) src(%dma_wait3A_161 : memref<10000x128xf32, #tpu.memory_space<hbm>>) dst(%arg9 : memref<80x128xf32, #tpu.memory_space<vmem>>)
      %run_scoped3A_162 = arith.constant 2 : i32
      "tpu.region"() ({
        %run_scoped3A_268 = tpu.sem_alloc : memref<!tpu.dma_semaphore, #tpu.memory_space<semaphore_mem>>
        %dma_start3A_269 = arith.constant 0 : i32
        %dma_start3A_270 = tpu.memref_slice %arg8[%run_scoped3A_162, %dma_start3A_269] : memref<5x80xi32, #tpu.memory_space<vmem>> -> memref<1x80xi32, #tpu.memory_space<vmem>>
        %dma_start3A_271 = tpu.memref_squeeze %dma_start3A_270 : memref<1x80xi32, #tpu.memory_space<vmem>> -> memref<80xi32, #tpu.memory_space<vmem>>
        %dma_start3A_272 = arith.constant 0 : i32
        %dma_start3A_273 = arith.constant 0 : i32
        %dma_start3A_274 = tpu.memref_slice %arg14[%dma_start3A_272, %dma_start3A_273] : memref<10000x128xf32, #tpu.memory_space<vmem_shared>> -> memref<10000x128xf32, #tpu.memory_space<vmem_shared>>
        tpu.enqueue_indirect_dma source(%arg9 : memref<80x128xf32, #tpu.memory_space<vmem>>) target(%dma_start3A_274 : memref<10000x128xf32, #tpu.memory_space<vmem_shared>>) offsets(%dma_start3A_271 : memref<80xi32, #tpu.memory_space<vmem>>) semaphore(%run_scoped3A_268 : memref<!tpu.dma_semaphore, #tpu.memory_space<semaphore_mem>>) {add = true}
        %dma_wait3A_275 = arith.constant 0 : i32
        %dma_wait3A_276 = tpu.memref_slice %arg8[%run_scoped3A_162, %dma_wait3A_275] : memref<5x80xi32, #tpu.memory_space<vmem>> -> memref<1x80xi32, #tpu.memory_space<vmem>>
        %dma_wait3A_277 = tpu.memref_squeeze %dma_wait3A_276 : memref<1x80xi32, #tpu.memory_space<vmem>> -> memref<80xi32, #tpu.memory_space<vmem>>
        %dma_wait3A_278 = arith.constant 0 : i32
        %dma_wait3A_279 = arith.constant 0 : i32
        %dma_wait3A_280 = tpu.memref_slice %arg14[%dma_wait3A_278, %dma_wait3A_279] : memref<10000x128xf32, #tpu.memory_space<vmem_shared>> -> memref<10000x128xf32, #tpu.memory_space<vmem_shared>>
        tpu.wait_indirect_dma semaphore(%run_scoped3A_268 : memref<!tpu.dma_semaphore, #tpu.memory_space<semaphore_mem>>) src(%arg9 : memref<80x128xf32, #tpu.memory_space<vmem>>) dst(%dma_wait3A_280 : memref<10000x128xf32, #tpu.memory_space<vmem_shared>>)
        tpu.yield
      }) : () -> ()
      %get3A_163 = arith.constant 2 : i32
      %get3A_164 = arith.constant 0 : i32
      %get3A_165 = arith.index_cast %get3A_163 : i32 to index
      %get3A_166 = arith.index_cast %get3A_164 : i32 to index
      %get3A_167 = tpu.vector_load %arg8[%get3A_165, %get3A_166] {strides = array<i32>} : memref<5x80xi32, #tpu.memory_space<vmem>>, vector<16xi32>,
      tpu.vector_store_idx %arg13[%broadcast_in_dim3A_3, %get3A_167], %broadcast_in_dim3A_5 {add = true} : memref<1x10000xf32, #tpu.memory_space<vmem>>[vector<16xi32>, vector<16xi32>], vector<16xf32>,
      %get3A_168 = arith.constant 2 : i32
      %get3A_169 = arith.constant 16 : i32
      %get3A_170 = arith.index_cast %get3A_168 : i32 to index
      %get3A_171 = arith.index_cast %get3A_169 : i32 to index
      %get3A_172 = tpu.vector_load %arg8[%get3A_170, %get3A_171] {strides = array<i32>} : memref<5x80xi32, #tpu.memory_space<vmem>>, vector<16xi32>,
      tpu.vector_store_idx %arg13[%broadcast_in_dim3A_3, %get3A_172], %broadcast_in_dim3A_5 {add = true} : memref<1x10000xf32, #tpu.memory_space<vmem>>[vector<16xi32>, vector<16xi32>], vector<16xf32>,
      %get3A_173 = arith.constant 2 : i32
      %get3A_174 = arith.constant 32 : i32
      %get3A_175 = arith.index_cast %get3A_173 : i32 to index
      %get3A_176 = arith.index_cast %get3A_174 : i32 to index
      %get3A_177 = tpu.vector_load %arg8[%get3A_175, %get3A_176] {strides = array<i32>} : memref<5x80xi32, #tpu.memory_space<vmem>>, vector<16xi32>,
      tpu.vector_store_idx %arg13[%broadcast_in_dim3A_3, %get3A_177], %broadcast_in_dim3A_5 {add = true} : memref<1x10000xf32, #tpu.memory_space<vmem>>[vector<16xi32>, vector<16xi32>], vector<16xf32>,
      %get3A_178 = arith.constant 2 : i32
      %get3A_179 = arith.constant 48 : i32
      %get3A_180 = arith.index_cast %get3A_178 : i32 to index
      %get3A_181 = arith.index_cast %get3A_179 : i32 to index
      %get3A_182 = tpu.vector_load %arg8[%get3A_180, %get3A_181] {strides = array<i32>} : memref<5x80xi32, #tpu.memory_space<vmem>>, vector<16xi32>,
      tpu.vector_store_idx %arg13[%broadcast_in_dim3A_3, %get3A_182], %broadcast_in_dim3A_5 {add = true} : memref<1x10000xf32, #tpu.memory_space<vmem>>[vector<16xi32>, vector<16xi32>], vector<16xf32>,
      %get3A_183 = arith.constant 2 : i32
      %get3A_184 = arith.constant 64 : i32
      %get3A_185 = arith.index_cast %get3A_183 : i32 to index
      %get3A_186 = arith.index_cast %get3A_184 : i32 to index
      %get3A_187 = tpu.vector_load %arg8[%get3A_185, %get3A_186] {strides = array<i32>} : memref<5x80xi32, #tpu.memory_space<vmem>>, vector<16xi32>,
      tpu.vector_store_idx %arg13[%broadcast_in_dim3A_3, %get3A_187], %broadcast_in_dim3A_5 {add = true} : memref<1x10000xf32, #tpu.memory_space<vmem>>[vector<16xi32>, vector<16xi32>], vector<16xf32>,
      %dma_start3A_188 = arith.constant 3 : i32
      %dma_start3A_189 = arith.constant 0 : i32
      %dma_start3A_190 = tpu.memref_slice %arg7[%dma_start3A_188, %dma_start3A_189] : memref<5x80xi32, #tpu.memory_space<vmem>> -> memref<1x80xi32, #tpu.memory_space<vmem>>
      %dma_start3A_191 = tpu.memref_squeeze %dma_start3A_190 : memref<1x80xi32, #tpu.memory_space<vmem>> -> memref<80xi32, #tpu.memory_space<vmem>>
      %dma_start3A_192 = arith.constant 0 : i32
      %dma_start3A_193 = arith.constant 0 : i32
      %dma_start3A_194 = tpu.memref_slice %arg2[%dma_start3A_192, %dma_start3A_193] : memref<10000x128xf32, #tpu.memory_space<hbm>> -> memref<10000x128xf32, #tpu.memory_space<hbm>>
      tpu.enqueue_indirect_dma source(%dma_start3A_194 : memref<10000x128xf32, #tpu.memory_space<hbm>>) target(%arg9 : memref<80x128xf32, #tpu.memory_space<vmem>>) offsets(%dma_start3A_191 : memref<80xi32, #tpu.memory_space<vmem>>) semaphore(%arg15 : memref<!tpu.dma_semaphore, #tpu.memory_space<semaphore_mem>>)
      %dma_wait3A_195 = arith.constant 3 : i32
      %dma_wait3A_196 = arith.constant 0 : i32
      %dma_wait3A_197 = tpu.memref_slice %arg7[%dma_wait3A_195, %dma_wait3A_196] : memref<5x80xi32, #tpu.memory_space<vmem>> -> memref<1x80xi32, #tpu.memory_space<vmem>>
      %dma_wait3A_198 = tpu.memref_squeeze %dma_wait3A_197 : memref<1x80xi32, #tpu.memory_space<vmem>> -> memref<80xi32, #tpu.memory_space<vmem>>
      %dma_wait3A_199 = arith.constant 0 : i32
      %dma_wait3A_200 = arith.constant 0 : i32
      %dma_wait3A_201 = tpu.memref_slice %arg2[%dma_wait3A_199, %dma_wait3A_200] : memref<10000x128xf32, #tpu.memory_space<hbm>> -> memref<10000x128xf32, #tpu.memory_space<hbm>>
      tpu.wait_indirect_dma semaphore(%arg15 : memref<!tpu.dma_semaphore, #tpu.memory_space<semaphore_mem>>) src(%dma_wait3A_201 : memref<10000x128xf32, #tpu.memory_space<hbm>>) dst(%arg9 : memref<80x128xf32, #tpu.memory_space<vmem>>)
      %run_scoped3A_202 = arith.constant 3 : i32
      "tpu.region"() ({
        %run_scoped3A_268 = tpu.sem_alloc : memref<!tpu.dma_semaphore, #tpu.memory_space<semaphore_mem>>
        %dma_start3A_269 = arith.constant 0 : i32
        %dma_start3A_270 = tpu.memref_slice %arg8[%run_scoped3A_202, %dma_start3A_269] : memref<5x80xi32, #tpu.memory_space<vmem>> -> memref<1x80xi32, #tpu.memory_space<vmem>>
        %dma_start3A_271 = tpu.memref_squeeze %dma_start3A_270 : memref<1x80xi32, #tpu.memory_space<vmem>> -> memref<80xi32, #tpu.memory_space<vmem>>
        %dma_start3A_272 = arith.constant 0 : i32
        %dma_start3A_273 = arith.constant 0 : i32
        %dma_start3A_274 = tpu.memref_slice %arg14[%dma_start3A_272, %dma_start3A_273] : memref<10000x128xf32, #tpu.memory_space<vmem_shared>> -> memref<10000x128xf32, #tpu.memory_space<vmem_shared>>
        tpu.enqueue_indirect_dma source(%arg9 : memref<80x128xf32, #tpu.memory_space<vmem>>) target(%dma_start3A_274 : memref<10000x128xf32, #tpu.memory_space<vmem_shared>>) offsets(%dma_start3A_271 : memref<80xi32, #tpu.memory_space<vmem>>) semaphore(%run_scoped3A_268 : memref<!tpu.dma_semaphore, #tpu.memory_space<semaphore_mem>>) {add = true}
        %dma_wait3A_275 = arith.constant 0 : i32
        %dma_wait3A_276 = tpu.memref_slice %arg8[%run_scoped3A_202, %dma_wait3A_275] : memref<5x80xi32, #tpu.memory_space<vmem>> -> memref<1x80xi32, #tpu.memory_space<vmem>>
        %dma_wait3A_277 = tpu.memref_squeeze %dma_wait3A_276 : memref<1x80xi32, #tpu.memory_space<vmem>> -> memref<80xi32, #tpu.memory_space<vmem>>
        %dma_wait3A_278 = arith.constant 0 : i32
        %dma_wait3A_279 = arith.constant 0 : i32
        %dma_wait3A_280 = tpu.memref_slice %arg14[%dma_wait3A_278, %dma_wait3A_279] : memref<10000x128xf32, #tpu.memory_space<vmem_shared>> -> memref<10000x128xf32, #tpu.memory_space<vmem_shared>>
        tpu.wait_indirect_dma semaphore(%run_scoped3A_268 : memref<!tpu.dma_semaphore, #tpu.memory_space<semaphore_mem>>) src(%arg9 : memref<80x128xf32, #tpu.memory_space<vmem>>) dst(%dma_wait3A_280 : memref<10000x128xf32, #tpu.memory_space<vmem_shared>>)
        tpu.yield
      }) : () -> ()
      %get3A_203 = arith.constant 3 : i32
      %get3A_204 = arith.constant 0 : i32
      %get3A_205 = arith.index_cast %get3A_203 : i32 to index
      %get3A_206 = arith.index_cast %get3A_204 : i32 to index
      %get3A_207 = tpu.vector_load %arg8[%get3A_205, %get3A_206] {strides = array<i32>} : memref<5x80xi32, #tpu.memory_space<vmem>>, vector<16xi32>,
      tpu.vector_store_idx %arg13[%broadcast_in_dim3A_3, %get3A_207], %broadcast_in_dim3A_5 {add = true} : memref<1x10000xf32, #tpu.memory_space<vmem>>[vector<16xi32>, vector<16xi32>], vector<16xf32>,
      %get3A_208 = arith.constant 3 : i32
      %get3A_209 = arith.constant 16 : i32
      %get3A_210 = arith.index_cast %get3A_208 : i32 to index
      %get3A_211 = arith.index_cast %get3A_209 : i32 to index
      %get3A_212 = tpu.vector_load %arg8[%get3A_210, %get3A_211] {strides = array<i32>} : memref<5x80xi32, #tpu.memory_space<vmem>>, vector<16xi32>,
      tpu.vector_store_idx %arg13[%broadcast_in_dim3A_3, %get3A_212], %broadcast_in_dim3A_5 {add = true} : memref<1x10000xf32, #tpu.memory_space<vmem>>[vector<16xi32>, vector<16xi32>], vector<16xf32>,
      %get3A_213 = arith.constant 3 : i32
      %get3A_214 = arith.constant 32 : i32
      %get3A_215 = arith.index_cast %get3A_213 : i32 to index
      %get3A_216 = arith.index_cast %get3A_214 : i32 to index
      %get3A_217 = tpu.vector_load %arg8[%get3A_215, %get3A_216] {strides = array<i32>} : memref<5x80xi32, #tpu.memory_space<vmem>>, vector<16xi32>,
      tpu.vector_store_idx %arg13[%broadcast_in_dim3A_3, %get3A_217], %broadcast_in_dim3A_5 {add = true} : memref<1x10000xf32, #tpu.memory_space<vmem>>[vector<16xi32>, vector<16xi32>], vector<16xf32>,
      %get3A_218 = arith.constant 3 : i32
      %get3A_219 = arith.constant 48 : i32
      %get3A_220 = arith.index_cast %get3A_218 : i32 to index
      %get3A_221 = arith.index_cast %get3A_219 : i32 to index
      %get3A_222 = tpu.vector_load %arg8[%get3A_220, %get3A_221] {strides = array<i32>} : memref<5x80xi32, #tpu.memory_space<vmem>>, vector<16xi32>,
      tpu.vector_store_idx %arg13[%broadcast_in_dim3A_3, %get3A_222], %broadcast_in_dim3A_5 {add = true} : memref<1x10000xf32, #tpu.memory_space<vmem>>[vector<16xi32>, vector<16xi32>], vector<16xf32>,
      %get3A_223 = arith.constant 3 : i32
      %get3A_224 = arith.constant 64 : i32
      %get3A_225 = arith.index_cast %get3A_223 : i32 to index
      %get3A_226 = arith.index_cast %get3A_224 : i32 to index
      %get3A_227 = tpu.vector_load %arg8[%get3A_225, %get3A_226] {strides = array<i32>} : memref<5x80xi32, #tpu.memory_space<vmem>>, vector<16xi32>,
      tpu.vector_store_idx %arg13[%broadcast_in_dim3A_3, %get3A_227], %broadcast_in_dim3A_5 {add = true} : memref<1x10000xf32, #tpu.memory_space<vmem>>[vector<16xi32>, vector<16xi32>], vector<16xf32>,
      %dma_start3A_228 = arith.constant 4 : i32
      %dma_start3A_229 = arith.constant 0 : i32
      %dma_start3A_230 = tpu.memref_slice %arg7[%dma_start3A_228, %dma_start3A_229] : memref<5x80xi32, #tpu.memory_space<vmem>> -> memref<1x80xi32, #tpu.memory_space<vmem>>
      %dma_start3A_231 = tpu.memref_squeeze %dma_start3A_230 : memref<1x80xi32, #tpu.memory_space<vmem>> -> memref<80xi32, #tpu.memory_space<vmem>>
      %dma_start3A_232 = arith.constant 0 : i32
      %dma_start3A_233 = arith.constant 0 : i32
      %dma_start3A_234 = tpu.memref_slice %arg2[%dma_start3A_232, %dma_start3A_233] : memref<10000x128xf32, #tpu.memory_space<hbm>> -> memref<10000x128xf32, #tpu.memory_space<hbm>>
      tpu.enqueue_indirect_dma source(%dma_start3A_234 : memref<10000x128xf32, #tpu.memory_space<hbm>>) target(%arg9 : memref<80x128xf32, #tpu.memory_space<vmem>>) offsets(%dma_start3A_231 : memref<80xi32, #tpu.memory_space<vmem>>) semaphore(%arg15 : memref<!tpu.dma_semaphore, #tpu.memory_space<semaphore_mem>>)
      %dma_wait3A_235 = arith.constant 4 : i32
      %dma_wait3A_236 = arith.constant 0 : i32
      %dma_wait3A_237 = tpu.memref_slice %arg7[%dma_wait3A_235, %dma_wait3A_236] : memref<5x80xi32, #tpu.memory_space<vmem>> -> memref<1x80xi32, #tpu.memory_space<vmem>>
      %dma_wait3A_238 = tpu.memref_squeeze %dma_wait3A_237 : memref<1x80xi32, #tpu.memory_space<vmem>> -> memref<80xi32, #tpu.memory_space<vmem>>
      %dma_wait3A_239 = arith.constant 0 : i32
      %dma_wait3A_240 = arith.constant 0 : i32
      %dma_wait3A_241 = tpu.memref_slice %arg2[%dma_wait3A_239, %dma_wait3A_240] : memref<10000x128xf32, #tpu.memory_space<hbm>> -> memref<10000x128xf32, #tpu.memory_space<hbm>>
      tpu.wait_indirect_dma semaphore(%arg15 : memref<!tpu.dma_semaphore, #tpu.memory_space<semaphore_mem>>) src(%dma_wait3A_241 : memref<10000x128xf32, #tpu.memory_space<hbm>>) dst(%arg9 : memref<80x128xf32, #tpu.memory_space<vmem>>)
      %run_scoped3A_242 = arith.constant 4 : i32
      "tpu.region"() ({
        %run_scoped3A_268 = tpu.sem_alloc : memref<!tpu.dma_semaphore, #tpu.memory_space<semaphore_mem>>
        %dma_start3A_269 = arith.constant 0 : i32
        %dma_start3A_270 = tpu.memref_slice %arg8[%run_scoped3A_242, %dma_start3A_269] : memref<5x80xi32, #tpu.memory_space<vmem>> -> memref<1x80xi32, #tpu.memory_space<vmem>>
        %dma_start3A_271 = tpu.memref_squeeze %dma_start3A_270 : memref<1x80xi32, #tpu.memory_space<vmem>> -> memref<80xi32, #tpu.memory_space<vmem>>
        %dma_start3A_272 = arith.constant 0 : i32
        %dma_start3A_273 = arith.constant 0 : i32
        %dma_start3A_274 = tpu.memref_slice %arg14[%dma_start3A_272, %dma_start3A_273] : memref<10000x128xf32, #tpu.memory_space<vmem_shared>> -> memref<10000x128xf32, #tpu.memory_space<vmem_shared>>
        tpu.enqueue_indirect_dma source(%arg9 : memref<80x128xf32, #tpu.memory_space<vmem>>) target(%dma_start3A_274 : memref<10000x128xf32, #tpu.memory_space<vmem_shared>>) offsets(%dma_start3A_271 : memref<80xi32, #tpu.memory_space<vmem>>) semaphore(%run_scoped3A_268 : memref<!tpu.dma_semaphore, #tpu.memory_space<semaphore_mem>>) {add = true}
        %dma_wait3A_275 = arith.constant 0 : i32
        %dma_wait3A_276 = tpu.memref_slice %arg8[%run_scoped3A_242, %dma_wait3A_275] : memref<5x80xi32, #tpu.memory_space<vmem>> -> memref<1x80xi32, #tpu.memory_space<vmem>>
        %dma_wait3A_277 = tpu.memref_squeeze %dma_wait3A_276 : memref<1x80xi32, #tpu.memory_space<vmem>> -> memref<80xi32, #tpu.memory_space<vmem>>
        %dma_wait3A_278 = arith.constant 0 : i32
        %dma_wait3A_279 = arith.constant 0 : i32
        %dma_wait3A_280 = tpu.memref_slice %arg14[%dma_wait3A_278, %dma_wait3A_279] : memref<10000x128xf32, #tpu.memory_space<vmem_shared>> -> memref<10000x128xf32, #tpu.memory_space<vmem_shared>>
        tpu.wait_indirect_dma semaphore(%run_scoped3A_268 : memref<!tpu.dma_semaphore, #tpu.memory_space<semaphore_mem>>) src(%arg9 : memref<80x128xf32, #tpu.memory_space<vmem>>) dst(%dma_wait3A_280 : memref<10000x128xf32, #tpu.memory_space<vmem_shared>>)
        tpu.yield
      }) : () -> ()
      %get3A_243 = arith.constant 4 : i32
      %get3A_244 = arith.constant 0 : i32
      %get3A_245 = arith.index_cast %get3A_243 : i32 to index
      %get3A_246 = arith.index_cast %get3A_244 : i32 to index
      %get3A_247 = tpu.vector_load %arg8[%get3A_245, %get3A_246] {strides = array<i32>} : memref<5x80xi32, #tpu.memory_space<vmem>>, vector<16xi32>,
      tpu.vector_store_idx %arg13[%broadcast_in_dim3A_3, %get3A_247], %broadcast_in_dim3A_5 {add = true} : memref<1x10000xf32, #tpu.memory_space<vmem>>[vector<16xi32>, vector<16xi32>], vector<16xf32>,
      %get3A_248 = arith.constant 4 : i32
      %get3A_249 = arith.constant 16 : i32
      %get3A_250 = arith.index_cast %get3A_248 : i32 to index
      %get3A_251 = arith.index_cast %get3A_249 : i32 to index
      %get3A_252 = tpu.vector_load %arg8[%get3A_250, %get3A_251] {strides = array<i32>} : memref<5x80xi32, #tpu.memory_space<vmem>>, vector<16xi32>,
      tpu.vector_store_idx %arg13[%broadcast_in_dim3A_3, %get3A_252], %broadcast_in_dim3A_5 {add = true} : memref<1x10000xf32, #tpu.memory_space<vmem>>[vector<16xi32>, vector<16xi32>], vector<16xf32>,
      %get3A_253 = arith.constant 4 : i32
      %get3A_254 = arith.constant 32 : i32
      %get3A_255 = arith.index_cast %get3A_253 : i32 to index
      %get3A_256 = arith.index_cast %get3A_254 : i32 to index
      %get3A_257 = tpu.vector_load %arg8[%get3A_255, %get3A_256] {strides = array<i32>} : memref<5x80xi32, #tpu.memory_space<vmem>>, vector<16xi32>,
      tpu.vector_store_idx %arg13[%broadcast_in_dim3A_3, %get3A_257], %broadcast_in_dim3A_5 {add = true} : memref<1x10000xf32, #tpu.memory_space<vmem>>[vector<16xi32>, vector<16xi32>], vector<16xf32>,
      %get3A_258 = arith.constant 4 : i32
      %get3A_259 = arith.constant 48 : i32
      %get3A_260 = arith.index_cast %get3A_258 : i32 to index
      %get3A_261 = arith.index_cast %get3A_259 : i32 to index
      %get3A_262 = tpu.vector_load %arg8[%get3A_260, %get3A_261] {strides = array<i32>} : memref<5x80xi32, #tpu.memory_space<vmem>>, vector<16xi32>,
      tpu.vector_store_idx %arg13[%broadcast_in_dim3A_3, %get3A_262], %broadcast_in_dim3A_5 {add = true} : memref<1x10000xf32, #tpu.memory_space<vmem>>[vector<16xi32>, vector<16xi32>], vector<16xf32>,
      %get3A_263 = arith.constant 4 : i32
      %get3A_264 = arith.constant 64 : i32
      %get3A_265 = arith.index_cast %get3A_263 : i32 to index
      %get3A_266 = arith.index_cast %get3A_264 : i32 to index
      %get3A_267 = tpu.vector_load %arg8[%get3A_265, %get3A_266] {strides = array<i32>} : memref<5x80xi32, #tpu.memory_space<vmem>>, vector<16xi32>,
      tpu.vector_store_idx %arg13[%broadcast_in_dim3A_3, %get3A_267], %broadcast_in_dim3A_5 {add = true} : memref<1x10000xf32, #tpu.memory_space<vmem>>[vector<16xi32>, vector<16xi32>], vector<16xf32>,
    }
    %while3A_51 = arith.constant 1 : i32
    scf.for %while3A_64 = %while3A_49 to %while3A_45 step %while3A_51  : i32 {
      %mul3A_65 = arith.constant 1 : i32
      %mul3A_66 = arith.muli %while3A_64, %mul3A_65 : i32
      %add3A_67 = arith.constant 0 : i32
      %add3A_68 = arith.addi %add3A_67, %mul3A_66 : i32
      %mul3A_69 = arith.constant 25 : i32
      %mul3A_70 = arith.muli %add3A, %mul3A_69 : i32
      %add3A_71 = arith.addi %mul3A_70, %add3A_68 : i32
      "tpu.region"() ({
        %run_scoped3A_268 = tpu.sem_alloc : memref<!tpu.dma_semaphore, #tpu.memory_space<semaphore_mem>>
        %dma_start3A_269 = arith.constant 0 : i32
        %dma_start3A_270 = arith.constant 0 : i32
        %dma_start3A_271 = tpu.memref_slice %arg3[%add3A_71, %dma_start3A_269, %dma_start3A_270] : memref<800x5x80xi32, #tpu.memory_space<hbm>> -> memref<1x5x80xi32, #tpu.memory_space<hbm>>
        %dma_start3A_272 = tpu.memref_squeeze %dma_start3A_271 : memref<1x5x80xi32, #tpu.memory_space<hbm>> -> memref<5x80xi32, #tpu.memory_space<hbm>>
        %dma_start3A_273 = arith.constant 0 : i32
        %dma_start3A_274 = arith.constant 0 : i32
        %dma_start3A_275 = tpu.memref_slice %arg3[%add3A_71, %dma_start3A_273, %dma_start3A_274] : memref<800x5x80xi32, #tpu.memory_space<hbm>> -> memref<1x5x80xi32, #tpu.memory_space<hbm>>
        %dma_start3A_276 = tpu.memref_squeeze %dma_start3A_275 : memref<1x5x80xi32, #tpu.memory_space<hbm>> -> memref<5x80xi32, #tpu.memory_space<hbm>>
        tpu.enqueue_dma source(%dma_start3A_276 : memref<5x80xi32, #tpu.memory_space<hbm>>) target(%arg7 : memref<5x80xi32, #tpu.memory_space<vmem>>) target_semaphore(%run_scoped3A_268 : memref<!tpu.dma_semaphore, #tpu.memory_space<semaphore_mem>>)
        %dma_wait3A_277 = arith.constant 0 : i32
        %dma_wait3A_278 = arith.constant 0 : i32
        %dma_wait3A_279 = tpu.memref_slice %arg3[%add3A_71, %dma_wait3A_277, %dma_wait3A_278] : memref<800x5x80xi32, #tpu.memory_space<hbm>> -> memref<1x5x80xi32, #tpu.memory_space<hbm>>
        %dma_wait3A_280 = tpu.memref_squeeze %dma_wait3A_279 : memref<1x5x80xi32, #tpu.memory_space<hbm>> -> memref<5x80xi32, #tpu.memory_space<hbm>>
        %dma_wait3A_281 = arith.constant 0 : i32
        %dma_wait3A_282 = arith.constant 0 : i32
        %dma_wait3A_283 = tpu.memref_slice %arg3[%add3A_71, %dma_wait3A_281, %dma_wait3A_282] : memref<800x5x80xi32, #tpu.memory_space<hbm>> -> memref<1x5x80xi32, #tpu.memory_space<hbm>>
        %dma_wait3A_284 = tpu.memref_squeeze %dma_wait3A_283 : memref<1x5x80xi32, #tpu.memory_space<hbm>> -> memref<5x80xi32, #tpu.memory_space<hbm>>
        tpu.wait_dma2 semaphore(%run_scoped3A_268 : memref<!tpu.dma_semaphore, #tpu.memory_space<semaphore_mem>>) src(%dma_wait3A_284 : memref<5x80xi32, #tpu.memory_space<hbm>>) dst(%arg7 : memref<5x80xi32, #tpu.memory_space<vmem>>)
        tpu.yield
      }) : () -> ()
      "tpu.region"() ({
        %run_scoped3A_268 = tpu.sem_alloc : memref<!tpu.dma_semaphore, #tpu.memory_space<semaphore_mem>>
        %dma_start3A_269 = arith.constant 0 : i32
        %dma_start3A_270 = arith.constant 0 : i32
        %dma_start3A_271 = tpu.memref_slice %arg4[%add3A_71, %dma_start3A_269, %dma_start3A_270] : memref<800x5x80xi32, #tpu.memory_space<hbm>> -> memref<1x5x80xi32, #tpu.memory_space<hbm>>
        %dma_start3A_272 = tpu.memref_squeeze %dma_start3A_271 : memref<1x5x80xi32, #tpu.memory_space<hbm>> -> memref<5x80xi32, #tpu.memory_space<hbm>>
        %dma_start3A_273 = arith.constant 0 : i32
        %dma_start3A_274 = arith.constant 0 : i32
        %dma_start3A_275 = tpu.memref_slice %arg4[%add3A_71, %dma_start3A_273, %dma_start3A_274] : memref<800x5x80xi32, #tpu.memory_space<hbm>> -> memref<1x5x80xi32, #tpu.memory_space<hbm>>
        %dma_start3A_276 = tpu.memref_squeeze %dma_start3A_275 : memref<1x5x80xi32, #tpu.memory_space<hbm>> -> memref<5x80xi32, #tpu.memory_space<hbm>>
        tpu.enqueue_dma source(%dma_start3A_276 : memref<5x80xi32, #tpu.memory_space<hbm>>) target(%arg8 : memref<5x80xi32, #tpu.memory_space<vmem>>) target_semaphore(%run_scoped3A_268 : memref<!tpu.dma_semaphore, #tpu.memory_space<semaphore_mem>>)
        %dma_wait3A_277 = arith.constant 0 : i32
        %dma_wait3A_278 = arith.constant 0 : i32
        %dma_wait3A_279 = tpu.memref_slice %arg4[%add3A_71, %dma_wait3A_277, %dma_wait3A_278] : memref<800x5x80xi32, #tpu.memory_space<hbm>> -> memref<1x5x80xi32, #tpu.memory_space<hbm>>
        %dma_wait3A_280 = tpu.memref_squeeze %dma_wait3A_279 : memref<1x5x80xi32, #tpu.memory_space<hbm>> -> memref<5x80xi32, #tpu.memory_space<hbm>>
        %dma_wait3A_281 = arith.constant 0 : i32
        %dma_wait3A_282 = arith.constant 0 : i32
        %dma_wait3A_283 = tpu.memref_slice %arg4[%add3A_71, %dma_wait3A_281, %dma_wait3A_282] : memref<800x5x80xi32, #tpu.memory_space<hbm>> -> memref<1x5x80xi32, #tpu.memory_space<hbm>>
        %dma_wait3A_284 = tpu.memref_squeeze %dma_wait3A_283 : memref<1x5x80xi32, #tpu.memory_space<hbm>> -> memref<5x80xi32, #tpu.memory_space<hbm>>
        tpu.wait_dma2 semaphore(%run_scoped3A_268 : memref<!tpu.dma_semaphore, #tpu.memory_space<semaphore_mem>>) src(%dma_wait3A_284 : memref<5x80xi32, #tpu.memory_space<hbm>>) dst(%arg8 : memref<5x80xi32, #tpu.memory_space<vmem>>)
        tpu.yield
      }) : () -> ()
      %dma_start3A = arith.constant 0 : i32
      %dma_start3A_72 = arith.constant 0 : i32
      %dma_start3A_73 = tpu.memref_slice %arg7[%dma_start3A, %dma_start3A_72] : memref<5x80xi32, #tpu.memory_space<vmem>> -> memref<1x80xi32, #tpu.memory_space<vmem>>
      %dma_start3A_74 = tpu.memref_squeeze %dma_start3A_73 : memref<1x80xi32, #tpu.memory_space<vmem>> -> memref<80xi32, #tpu.memory_space<vmem>>
      %dma_start3A_75 = arith.constant 0 : i32
      %dma_start3A_76 = arith.constant 0 : i32
      %dma_start3A_77 = tpu.memref_slice %arg2[%dma_start3A_75, %dma_start3A_76] : memref<10000x128xf32, #tpu.memory_space<hbm>> -> memref<10000x128xf32, #tpu.memory_space<hbm>>
      tpu.enqueue_indirect_dma source(%dma_start3A_77 : memref<10000x128xf32, #tpu.memory_space<hbm>>) target(%arg9 : memref<80x128xf32, #tpu.memory_space<vmem>>) offsets(%dma_start3A_74 : memref<80xi32, #tpu.memory_space<vmem>>) semaphore(%arg15 : memref<!tpu.dma_semaphore, #tpu.memory_space<semaphore_mem>>)
      %dma_wait3A = arith.constant 0 : i32
      %dma_wait3A_78 = arith.constant 0 : i32
      %dma_wait3A_79 = tpu.memref_slice %arg7[%dma_wait3A, %dma_wait3A_78] : memref<5x80xi32, #tpu.memory_space<vmem>> -> memref<1x80xi32, #tpu.memory_space<vmem>>
      %dma_wait3A_80 = tpu.memref_squeeze %dma_wait3A_79 : memref<1x80xi32, #tpu.memory_space<vmem>> -> memref<80xi32, #tpu.memory_space<vmem>>
      %dma_wait3A_81 = arith.constant 0 : i32
      %dma_wait3A_82 = arith.constant 0 : i32
      %dma_wait3A_83 = tpu.memref_slice %arg2[%dma_wait3A_81, %dma_wait3A_82] : memref<10000x128xf32, #tpu.memory_space<hbm>> -> memref<10000x128xf32, #tpu.memory_space<hbm>>
      tpu.wait_indirect_dma semaphore(%arg15 : memref<!tpu.dma_semaphore, #tpu.memory_space<semaphore_mem>>) src(%dma_wait3A_83 : memref<10000x128xf32, #tpu.memory_space<hbm>>) dst(%arg9 : memref<80x128xf32, #tpu.memory_space<vmem>>)
      %run_scoped3A = arith.constant 0 : i32
      "tpu.region"() ({
        %run_scoped3A_268 = tpu.sem_alloc : memref<!tpu.dma_semaphore, #tpu.memory_space<semaphore_mem>>
        %dma_start3A_269 = arith.constant 0 : i32
        %dma_start3A_270 = tpu.memref_slice %arg8[%run_scoped3A, %dma_start3A_269] : memref<5x80xi32, #tpu.memory_space<vmem>> -> memref<1x80xi32, #tpu.memory_space<vmem>>
        %dma_start3A_271 = tpu.memref_squeeze %dma_start3A_270 : memref<1x80xi32, #tpu.memory_space<vmem>> -> memref<80xi32, #tpu.memory_space<vmem>>
        %dma_start3A_272 = arith.constant 0 : i32
        %dma_start3A_273 = arith.constant 0 : i32
        %dma_start3A_274 = tpu.memref_slice %arg14[%dma_start3A_272, %dma_start3A_273] : memref<10000x128xf32, #tpu.memory_space<vmem_shared>> -> memref<10000x128xf32, #tpu.memory_space<vmem_shared>>
        tpu.enqueue_indirect_dma source(%arg9 : memref<80x128xf32, #tpu.memory_space<vmem>>) target(%dma_start3A_274 : memref<10000x128xf32, #tpu.memory_space<vmem_shared>>) offsets(%dma_start3A_271 : memref<80xi32, #tpu.memory_space<vmem>>) semaphore(%run_scoped3A_268 : memref<!tpu.dma_semaphore, #tpu.memory_space<semaphore_mem>>) {add = true}
        %dma_wait3A_275 = arith.constant 0 : i32
        %dma_wait3A_276 = tpu.memref_slice %arg8[%run_scoped3A, %dma_wait3A_275] : memref<5x80xi32, #tpu.memory_space<vmem>> -> memref<1x80xi32, #tpu.memory_space<vmem>>
        %dma_wait3A_277 = tpu.memref_squeeze %dma_wait3A_276 : memref<1x80xi32, #tpu.memory_space<vmem>> -> memref<80xi32, #tpu.memory_space<vmem>>
        %dma_wait3A_278 = arith.constant 0 : i32
        %dma_wait3A_279 = arith.constant 0 : i32
        %dma_wait3A_280 = tpu.memref_slice %arg14[%dma_wait3A_278, %dma_wait3A_279] : memref<10000x128xf32, #tpu.memory_space<vmem_shared>> -> memref<10000x128xf32, #tpu.memory_space<vmem_shared>>
        tpu.wait_indirect_dma semaphore(%run_scoped3A_268 : memref<!tpu.dma_semaphore, #tpu.memory_space<semaphore_mem>>) src(%arg9 : memref<80x128xf32, #tpu.memory_space<vmem>>) dst(%dma_wait3A_280 : memref<10000x128xf32, #tpu.memory_space<vmem_shared>>)
        tpu.yield
      }) : () -> ()
      %get3A = arith.constant 0 : i32
      %get3A_84 = arith.constant 0 : i32
      %get3A_85 = arith.index_cast %get3A : i32 to index
      %get3A_86 = arith.index_cast %get3A_84 : i32 to index
      %get3A_87 = tpu.vector_load %arg8[%get3A_85, %get3A_86] {strides = array<i32>} : memref<5x80xi32, #tpu.memory_space<vmem>>, vector<16xi32>,
      tpu.vector_store_idx %arg13[%broadcast_in_dim3A_3, %get3A_87], %broadcast_in_dim3A_5 {add = true} : memref<1x10000xf32, #tpu.memory_space<vmem>>[vector<16xi32>, vector<16xi32>], vector<16xf32>,
      %get3A_88 = arith.constant 0 : i32
      %get3A_89 = arith.constant 16 : i32
      %get3A_90 = arith.index_cast %get3A_88 : i32 to index
      %get3A_91 = arith.index_cast %get3A_89 : i32 to index
      %get3A_92 = tpu.vector_load %arg8[%get3A_90, %get3A_91] {strides = array<i32>} : memref<5x80xi32, #tpu.memory_space<vmem>>, vector<16xi32>,
      tpu.vector_store_idx %arg13[%broadcast_in_dim3A_3, %get3A_92], %broadcast_in_dim3A_5 {add = true} : memref<1x10000xf32, #tpu.memory_space<vmem>>[vector<16xi32>, vector<16xi32>], vector<16xf32>,
      %get3A_93 = arith.constant 0 : i32
      %get3A_94 = arith.constant 32 : i32
      %get3A_95 = arith.index_cast %get3A_93 : i32 to index
      %get3A_96 = arith.index_cast %get3A_94 : i32 to index
      %get3A_97 = tpu.vector_load %arg8[%get3A_95, %get3A_96] {strides = array<i32>} : memref<5x80xi32, #tpu.memory_space<vmem>>, vector<16xi32>,
      tpu.vector_store_idx %arg13[%broadcast_in_dim3A_3, %get3A_97], %broadcast_in_dim3A_5 {add = true} : memref<1x10000xf32, #tpu.memory_space<vmem>>[vector<16xi32>, vector<16xi32>], vector<16xf32>,
      %get3A_98 = arith.constant 0 : i32
      %get3A_99 = arith.constant 48 : i32
      %get3A_100 = arith.index_cast %get3A_98 : i32 to index
      %get3A_101 = arith.index_cast %get3A_99 : i32 to index
      %get3A_102 = tpu.vector_load %arg8[%get3A_100, %get3A_101] {strides = array<i32>} : memref<5x80xi32, #tpu.memory_space<vmem>>, vector<16xi32>,
      tpu.vector_store_idx %arg13[%broadcast_in_dim3A_3, %get3A_102], %broadcast_in_dim3A_5 {add = true} : memref<1x10000xf32, #tpu.memory_space<vmem>>[vector<16xi32>, vector<16xi32>], vector<16xf32>,
      %get3A_103 = arith.constant 0 : i32
      %get3A_104 = arith.constant 64 : i32
      %get3A_105 = arith.index_cast %get3A_103 : i32 to index
      %get3A_106 = arith.index_cast %get3A_104 : i32 to index
      %get3A_107 = tpu.vector_load %arg8[%get3A_105, %get3A_106] {strides = array<i32>} : memref<5x80xi32, #tpu.memory_space<vmem>>, vector<16xi32>,
      tpu.vector_store_idx %arg13[%broadcast_in_dim3A_3, %get3A_107], %broadcast_in_dim3A_5 {add = true} : memref<1x10000xf32, #tpu.memory_space<vmem>>[vector<16xi32>, vector<16xi32>], vector<16xf32>,
      %dma_start3A_108 = arith.constant 1 : i32
      %dma_start3A_109 = arith.constant 0 : i32
      %dma_start3A_110 = tpu.memref_slice %arg7[%dma_start3A_108, %dma_start3A_109] : memref<5x80xi32, #tpu.memory_space<vmem>> -> memref<1x80xi32, #tpu.memory_space<vmem>>
      %dma_start3A_111 = tpu.memref_squeeze %dma_start3A_110 : memref<1x80xi32, #tpu.memory_space<vmem>> -> memref<80xi32, #tpu.memory_space<vmem>>
      %dma_start3A_112 = arith.constant 0 : i32
      %dma_start3A_113 = arith.constant 0 : i32
      %dma_start3A_114 = tpu.memref_slice %arg2[%dma_start3A_112, %dma_start3A_113] : memref<10000x128xf32, #tpu.memory_space<hbm>> -> memref<10000x128xf32, #tpu.memory_space<hbm>>
      tpu.enqueue_indirect_dma source(%dma_start3A_114 : memref<10000x128xf32, #tpu.memory_space<hbm>>) target(%arg9 : memref<80x128xf32, #tpu.memory_space<vmem>>) offsets(%dma_start3A_111 : memref<80xi32, #tpu.memory_space<vmem>>) semaphore(%arg15 : memref<!tpu.dma_semaphore, #tpu.memory_space<semaphore_mem>>)
      %dma_wait3A_115 = arith.constant 1 : i32
      %dma_wait3A_116 = arith.constant 0 : i32
      %dma_wait3A_117 = tpu.memref_slice %arg7[%dma_wait3A_115, %dma_wait3A_116] : memref<5x80xi32, #tpu.memory_space<vmem>> -> memref<1x80xi32, #tpu.memory_space<vmem>>
      %dma_wait3A_118 = tpu.memref_squeeze %dma_wait3A_117 : memref<1x80xi32, #tpu.memory_space<vmem>> -> memref<80xi32, #tpu.memory_space<vmem>>
      %dma_wait3A_119 = arith.constant 0 : i32
      %dma_wait3A_120 = arith.constant 0 : i32
      %dma_wait3A_121 = tpu.memref_slice %arg2[%dma_wait3A_119, %dma_wait3A_120] : memref<10000x128xf32, #tpu.memory_space<hbm>> -> memref<10000x128xf32, #tpu.memory_space<hbm>>
      tpu.wait_indirect_dma semaphore(%arg15 : memref<!tpu.dma_semaphore, #tpu.memory_space<semaphore_mem>>) src(%dma_wait3A_121 : memref<10000x128xf32, #tpu.memory_space<hbm>>) dst(%arg9 : memref<80x128xf32, #tpu.memory_space<vmem>>)
      %run_scoped3A_122 = arith.constant 1 : i32
      "tpu.region"() ({
        %run_scoped3A_268 = tpu.sem_alloc : memref<!tpu.dma_semaphore, #tpu.memory_space<semaphore_mem>>
        %dma_start3A_269 = arith.constant 0 : i32
        %dma_start3A_270 = tpu.memref_slice %arg8[%run_scoped3A_122, %dma_start3A_269] : memref<5x80xi32, #tpu.memory_space<vmem>> -> memref<1x80xi32, #tpu.memory_space<vmem>>
        %dma_start3A_271 = tpu.memref_squeeze %dma_start3A_270 : memref<1x80xi32, #tpu.memory_space<vmem>> -> memref<80xi32, #tpu.memory_space<vmem>>
        %dma_start3A_272 = arith.constant 0 : i32
        %dma_start3A_273 = arith.constant 0 : i32
        %dma_start3A_274 = tpu.memref_slice %arg14[%dma_start3A_272, %dma_start3A_273] : memref<10000x128xf32, #tpu.memory_space<vmem_shared>> -> memref<10000x128xf32, #tpu.memory_space<vmem_shared>>
        tpu.enqueue_indirect_dma source(%arg9 : memref<80x128xf32, #tpu.memory_space<vmem>>) target(%dma_start3A_274 : memref<10000x128xf32, #tpu.memory_space<vmem_shared>>) offsets(%dma_start3A_271 : memref<80xi32, #tpu.memory_space<vmem>>) semaphore(%run_scoped3A_268 : memref<!tpu.dma_semaphore, #tpu.memory_space<semaphore_mem>>) {add = true}
        %dma_wait3A_275 = arith.constant 0 : i32
        %dma_wait3A_276 = tpu.memref_slice %arg8[%run_scoped3A_122, %dma_wait3A_275] : memref<5x80xi32, #tpu.memory_space<vmem>> -> memref<1x80xi32, #tpu.memory_space<vmem>>
        %dma_wait3A_277 = tpu.memref_squeeze %dma_wait3A_276 : memref<1x80xi32, #tpu.memory_space<vmem>> -> memref<80xi32, #tpu.memory_space<vmem>>
        %dma_wait3A_278 = arith.constant 0 : i32
        %dma_wait3A_279 = arith.constant 0 : i32
        %dma_wait3A_280 = tpu.memref_slice %arg14[%dma_wait3A_278, %dma_wait3A_279] : memref<10000x128xf32, #tpu.memory_space<vmem_shared>> -> memref<10000x128xf32, #tpu.memory_space<vmem_shared>>
        tpu.wait_indirect_dma semaphore(%run_scoped3A_268 : memref<!tpu.dma_semaphore, #tpu.memory_space<semaphore_mem>>) src(%arg9 : memref<80x128xf32, #tpu.memory_space<vmem>>) dst(%dma_wait3A_280 : memref<10000x128xf32, #tpu.memory_space<vmem_shared>>)
        tpu.yield
      }) : () -> ()
      %get3A_123 = arith.constant 1 : i32
      %get3A_124 = arith.constant 0 : i32
      %get3A_125 = arith.index_cast %get3A_123 : i32 to index
      %get3A_126 = arith.index_cast %get3A_124 : i32 to index
      %get3A_127 = tpu.vector_load %arg8[%get3A_125, %get3A_126] {strides = array<i32>} : memref<5x80xi32, #tpu.memory_space<vmem>>, vector<16xi32>,
      tpu.vector_store_idx %arg13[%broadcast_in_dim3A_3, %get3A_127], %broadcast_in_dim3A_5 {add = true} : memref<1x10000xf32, #tpu.memory_space<vmem>>[vector<16xi32>, vector<16xi32>], vector<16xf32>,
      %get3A_128 = arith.constant 1 : i32
      %get3A_129 = arith.constant 16 : i32
      %get3A_130 = arith.index_cast %get3A_128 : i32 to index
      %get3A_131 = arith.index_cast %get3A_129 : i32 to index
      %get3A_132 = tpu.vector_load %arg8[%get3A_130, %get3A_131] {strides = array<i32>} : memref<5x80xi32, #tpu.memory_space<vmem>>, vector<16xi32>,
      tpu.vector_store_idx %arg13[%broadcast_in_dim3A_3, %get3A_132], %broadcast_in_dim3A_5 {add = true} : memref<1x10000xf32, #tpu.memory_space<vmem>>[vector<16xi32>, vector<16xi32>], vector<16xf32>,
      %get3A_133 = arith.constant 1 : i32
      %get3A_134 = arith.constant 32 : i32
      %get3A_135 = arith.index_cast %get3A_133 : i32 to index
      %get3A_136 = arith.index_cast %get3A_134 : i32 to index
      %get3A_137 = tpu.vector_load %arg8[%get3A_135, %get3A_136] {strides = array<i32>} : memref<5x80xi32, #tpu.memory_space<vmem>>, vector<16xi32>,
      tpu.vector_store_idx %arg13[%broadcast_in_dim3A_3, %get3A_137], %broadcast_in_dim3A_5 {add = true} : memref<1x10000xf32, #tpu.memory_space<vmem>>[vector<16xi32>, vector<16xi32>], vector<16xf32>,
      %get3A_138 = arith.constant 1 : i32
      %get3A_139 = arith.constant 48 : i32
      %get3A_140 = arith.index_cast %get3A_138 : i32 to index
      %get3A_141 = arith.index_cast %get3A_139 : i32 to index
      %get3A_142 = tpu.vector_load %arg8[%get3A_140, %get3A_141] {strides = array<i32>} : memref<5x80xi32, #tpu.memory_space<vmem>>, vector<16xi32>,
      tpu.vector_store_idx %arg13[%broadcast_in_dim3A_3, %get3A_142], %broadcast_in_dim3A_5 {add = true} : memref<1x10000xf32, #tpu.memory_space<vmem>>[vector<16xi32>, vector<16xi32>], vector<16xf32>,
      %get3A_143 = arith.constant 1 : i32
      %get3A_144 = arith.constant 64 : i32
      %get3A_145 = arith.index_cast %get3A_143 : i32 to index
      %get3A_146 = arith.index_cast %get3A_144 : i32 to index
      %get3A_147 = tpu.vector_load %arg8[%get3A_145, %get3A_146] {strides = array<i32>} : memref<5x80xi32, #tpu.memory_space<vmem>>, vector<16xi32>,
      tpu.vector_store_idx %arg13[%broadcast_in_dim3A_3, %get3A_147], %broadcast_in_dim3A_5 {add = true} : memref<1x10000xf32, #tpu.memory_space<vmem>>[vector<16xi32>, vector<16xi32>], vector<16xf32>,
      %dma_start3A_148 = arith.constant 2 : i32
      %dma_start3A_149 = arith.constant 0 : i32
      %dma_start3A_150 = tpu.memref_slice %arg7[%dma_start3A_148, %dma_start3A_149] : memref<5x80xi32, #tpu.memory_space<vmem>> -> memref<1x80xi32, #tpu.memory_space<vmem>>
      %dma_start3A_151 = tpu.memref_squeeze %dma_start3A_150 : memref<1x80xi32, #tpu.memory_space<vmem>> -> memref<80xi32, #tpu.memory_space<vmem>>
      %dma_start3A_152 = arith.constant 0 : i32
      %dma_start3A_153 = arith.constant 0 : i32
      %dma_start3A_154 = tpu.memref_slice %arg2[%dma_start3A_152, %dma_start3A_153] : memref<10000x128xf32, #tpu.memory_space<hbm>> -> memref<10000x128xf32, #tpu.memory_space<hbm>>
      tpu.enqueue_indirect_dma source(%dma_start3A_154 : memref<10000x128xf32, #tpu.memory_space<hbm>>) target(%arg9 : memref<80x128xf32, #tpu.memory_space<vmem>>) offsets(%dma_start3A_151 : memref<80xi32, #tpu.memory_space<vmem>>) semaphore(%arg15 : memref<!tpu.dma_semaphore, #tpu.memory_space<semaphore_mem>>)
      %dma_wait3A_155 = arith.constant 2 : i32
      %dma_wait3A_156 = arith.constant 0 : i32
      %dma_wait3A_157 = tpu.memref_slice %arg7[%dma_wait3A_155, %dma_wait3A_156] : memref<5x80xi32, #tpu.memory_space<vmem>> -> memref<1x80xi32, #tpu.memory_space<vmem>>
      %dma_wait3A_158 = tpu.memref_squeeze %dma_wait3A_157 : memref<1x80xi32, #tpu.memory_space<vmem>> -> memref<80xi32, #tpu.memory_space<vmem>>
      %dma_wait3A_159 = arith.constant 0 : i32
      %dma_wait3A_160 = arith.constant 0 : i32
      %dma_wait3A_161 = tpu.memref_slice %arg2[%dma_wait3A_159, %dma_wait3A_160] : memref<10000x128xf32, #tpu.memory_space<hbm>> -> memref<10000x128xf32, #tpu.memory_space<hbm>>
      tpu.wait_indirect_dma semaphore(%arg15 : memref<!tpu.dma_semaphore, #tpu.memory_space<semaphore_mem>>) src(%dma_wait3A_161 : memref<10000x128xf32, #tpu.memory_space<hbm>>) dst(%arg9 : memref<80x128xf32, #tpu.memory_space<vmem>>)
      %run_scoped3A_162 = arith.constant 2 : i32
      "tpu.region"() ({
        %run_scoped3A_268 = tpu.sem_alloc : memref<!tpu.dma_semaphore, #tpu.memory_space<semaphore_mem>>
        %dma_start3A_269 = arith.constant 0 : i32
        %dma_start3A_270 = tpu.memref_slice %arg8[%run_scoped3A_162, %dma_start3A_269] : memref<5x80xi32, #tpu.memory_space<vmem>> -> memref<1x80xi32, #tpu.memory_space<vmem>>
        %dma_start3A_271 = tpu.memref_squeeze %dma_start3A_270 : memref<1x80xi32, #tpu.memory_space<vmem>> -> memref<80xi32, #tpu.memory_space<vmem>>
        %dma_start3A_272 = arith.constant 0 : i32
        %dma_start3A_273 = arith.constant 0 : i32
        %dma_start3A_274 = tpu.memref_slice %arg14[%dma_start3A_272, %dma_start3A_273] : memref<10000x128xf32, #tpu.memory_space<vmem_shared>> -> memref<10000x128xf32, #tpu.memory_space<vmem_shared>>
        tpu.enqueue_indirect_dma source(%arg9 : memref<80x128xf32, #tpu.memory_space<vmem>>) target(%dma_start3A_274 : memref<10000x128xf32, #tpu.memory_space<vmem_shared>>) offsets(%dma_start3A_271 : memref<80xi32, #tpu.memory_space<vmem>>) semaphore(%run_scoped3A_268 : memref<!tpu.dma_semaphore, #tpu.memory_space<semaphore_mem>>) {add = true}
        %dma_wait3A_275 = arith.constant 0 : i32
        %dma_wait3A_276 = tpu.memref_slice %arg8[%run_scoped3A_162, %dma_wait3A_275] : memref<5x80xi32, #tpu.memory_space<vmem>> -> memref<1x80xi32, #tpu.memory_space<vmem>>
        %dma_wait3A_277 = tpu.memref_squeeze %dma_wait3A_276 : memref<1x80xi32, #tpu.memory_space<vmem>> -> memref<80xi32, #tpu.memory_space<vmem>>
        %dma_wait3A_278 = arith.constant 0 : i32
        %dma_wait3A_279 = arith.constant 0 : i32
        %dma_wait3A_280 = tpu.memref_slice %arg14[%dma_wait3A_278, %dma_wait3A_279] : memref<10000x128xf32, #tpu.memory_space<vmem_shared>> -> memref<10000x128xf32, #tpu.memory_space<vmem_shared>>
        tpu.wait_indirect_dma semaphore(%run_scoped3A_268 : memref<!tpu.dma_semaphore, #tpu.memory_space<semaphore_mem>>) src(%arg9 : memref<80x128xf32, #tpu.memory_space<vmem>>) dst(%dma_wait3A_280 : memref<10000x128xf32, #tpu.memory_space<vmem_shared>>)
        tpu.yield
      }) : () -> ()
      %get3A_163 = arith.constant 2 : i32
      %get3A_164 = arith.constant 0 : i32
      %get3A_165 = arith.index_cast %get3A_163 : i32 to index
      %get3A_166 = arith.index_cast %get3A_164 : i32 to index
      %get3A_167 = tpu.vector_load %arg8[%get3A_165, %get3A_166] {strides = array<i32>} : memref<5x80xi32, #tpu.memory_space<vmem>>, vector<16xi32>,
      tpu.vector_store_idx %arg13[%broadcast_in_dim3A_3, %get3A_167], %broadcast_in_dim3A_5 {add = true} : memref<1x10000xf32, #tpu.memory_space<vmem>>[vector<16xi32>, vector<16xi32>], vector<16xf32>,
      %get3A_168 = arith.constant 2 : i32
      %get3A_169 = arith.constant 16 : i32
      %get3A_170 = arith.index_cast %get3A_168 : i32 to index
      %get3A_171 = arith.index_cast %get3A_169 : i32 to index
      %get3A_172 = tpu.vector_load %arg8[%get3A_170, %get3A_171] {strides = array<i32>} : memref<5x80xi32, #tpu.memory_space<vmem>>, vector<16xi32>,
      tpu.vector_store_idx %arg13[%broadcast_in_dim3A_3, %get3A_172], %broadcast_in_dim3A_5 {add = true} : memref<1x10000xf32, #tpu.memory_space<vmem>>[vector<16xi32>, vector<16xi32>], vector<16xf32>,
      %get3A_173 = arith.constant 2 : i32
      %get3A_174 = arith.constant 32 : i32
      %get3A_175 = arith.index_cast %get3A_173 : i32 to index
      %get3A_176 = arith.index_cast %get3A_174 : i32 to index
      %get3A_177 = tpu.vector_load %arg8[%get3A_175, %get3A_176] {strides = array<i32>} : memref<5x80xi32, #tpu.memory_space<vmem>>, vector<16xi32>,
      tpu.vector_store_idx %arg13[%broadcast_in_dim3A_3, %get3A_177], %broadcast_in_dim3A_5 {add = true} : memref<1x10000xf32, #tpu.memory_space<vmem>>[vector<16xi32>, vector<16xi32>], vector<16xf32>,
      %get3A_178 = arith.constant 2 : i32
      %get3A_179 = arith.constant 48 : i32
      %get3A_180 = arith.index_cast %get3A_178 : i32 to index
      %get3A_181 = arith.index_cast %get3A_179 : i32 to index
      %get3A_182 = tpu.vector_load %arg8[%get3A_180, %get3A_181] {strides = array<i32>} : memref<5x80xi32, #tpu.memory_space<vmem>>, vector<16xi32>,
      tpu.vector_store_idx %arg13[%broadcast_in_dim3A_3, %get3A_182], %broadcast_in_dim3A_5 {add = true} : memref<1x10000xf32, #tpu.memory_space<vmem>>[vector<16xi32>, vector<16xi32>], vector<16xf32>,
      %get3A_183 = arith.constant 2 : i32
      %get3A_184 = arith.constant 64 : i32
      %get3A_185 = arith.index_cast %get3A_183 : i32 to index
      %get3A_186 = arith.index_cast %get3A_184 : i32 to index
      %get3A_187 = tpu.vector_load %arg8[%get3A_185, %get3A_186] {strides = array<i32>} : memref<5x80xi32, #tpu.memory_space<vmem>>, vector<16xi32>,
      tpu.vector_store_idx %arg13[%broadcast_in_dim3A_3, %get3A_187], %broadcast_in_dim3A_5 {add = true} : memref<1x10000xf32, #tpu.memory_space<vmem>>[vector<16xi32>, vector<16xi32>], vector<16xf32>,
      %dma_start3A_188 = arith.constant 3 : i32
      %dma_start3A_189 = arith.constant 0 : i32
      %dma_start3A_190 = tpu.memref_slice %arg7[%dma_start3A_188, %dma_start3A_189] : memref<5x80xi32, #tpu.memory_space<vmem>> -> memref<1x80xi32, #tpu.memory_space<vmem>>
      %dma_start3A_191 = tpu.memref_squeeze %dma_start3A_190 : memref<1x80xi32, #tpu.memory_space<vmem>> -> memref<80xi32, #tpu.memory_space<vmem>>
      %dma_start3A_192 = arith.constant 0 : i32
      %dma_start3A_193 = arith.constant 0 : i32
      %dma_start3A_194 = tpu.memref_slice %arg2[%dma_start3A_192, %dma_start3A_193] : memref<10000x128xf32, #tpu.memory_space<hbm>> -> memref<10000x128xf32, #tpu.memory_space<hbm>>
      tpu.enqueue_indirect_dma source(%dma_start3A_194 : memref<10000x128xf32, #tpu.memory_space<hbm>>) target(%arg9 : memref<80x128xf32, #tpu.memory_space<vmem>>) offsets(%dma_start3A_191 : memref<80xi32, #tpu.memory_space<vmem>>) semaphore(%arg15 : memref<!tpu.dma_semaphore, #tpu.memory_space<semaphore_mem>>)
      %dma_wait3A_195 = arith.constant 3 : i32
      %dma_wait3A_196 = arith.constant 0 : i32
      %dma_wait3A_197 = tpu.memref_slice %arg7[%dma_wait3A_195, %dma_wait3A_196] : memref<5x80xi32, #tpu.memory_space<vmem>> -> memref<1x80xi32, #tpu.memory_space<vmem>>
      %dma_wait3A_198 = tpu.memref_squeeze %dma_wait3A_197 : memref<1x80xi32, #tpu.memory_space<vmem>> -> memref<80xi32, #tpu.memory_space<vmem>>
      %dma_wait3A_199 = arith.constant 0 : i32
      %dma_wait3A_200 = arith.constant 0 : i32
      %dma_wait3A_201 = tpu.memref_slice %arg2[%dma_wait3A_199, %dma_wait3A_200] : memref<10000x128xf32, #tpu.memory_space<hbm>> -> memref<10000x128xf32, #tpu.memory_space<hbm>>
      tpu.wait_indirect_dma semaphore(%arg15 : memref<!tpu.dma_semaphore, #tpu.memory_space<semaphore_mem>>) src(%dma_wait3A_201 : memref<10000x128xf32, #tpu.memory_space<hbm>>) dst(%arg9 : memref<80x128xf32, #tpu.memory_space<vmem>>)
      %run_scoped3A_202 = arith.constant 3 : i32
      "tpu.region"() ({
        %run_scoped3A_268 = tpu.sem_alloc : memref<!tpu.dma_semaphore, #tpu.memory_space<semaphore_mem>>
        %dma_start3A_269 = arith.constant 0 : i32
        %dma_start3A_270 = tpu.memref_slice %arg8[%run_scoped3A_202, %dma_start3A_269] : memref<5x80xi32, #tpu.memory_space<vmem>> -> memref<1x80xi32, #tpu.memory_space<vmem>>
        %dma_start3A_271 = tpu.memref_squeeze %dma_start3A_270 : memref<1x80xi32, #tpu.memory_space<vmem>> -> memref<80xi32, #tpu.memory_space<vmem>>
        %dma_start3A_272 = arith.constant 0 : i32
        %dma_start3A_273 = arith.constant 0 : i32
        %dma_start3A_274 = tpu.memref_slice %arg14[%dma_start3A_272, %dma_start3A_273] : memref<10000x128xf32, #tpu.memory_space<vmem_shared>> -> memref<10000x128xf32, #tpu.memory_space<vmem_shared>>
        tpu.enqueue_indirect_dma source(%arg9 : memref<80x128xf32, #tpu.memory_space<vmem>>) target(%dma_start3A_274 : memref<10000x128xf32, #tpu.memory_space<vmem_shared>>) offsets(%dma_start3A_271 : memref<80xi32, #tpu.memory_space<vmem>>) semaphore(%run_scoped3A_268 : memref<!tpu.dma_semaphore, #tpu.memory_space<semaphore_mem>>) {add = true}
        %dma_wait3A_275 = arith.constant 0 : i32
        %dma_wait3A_276 = tpu.memref_slice %arg8[%run_scoped3A_202, %dma_wait3A_275] : memref<5x80xi32, #tpu.memory_space<vmem>> -> memref<1x80xi32, #tpu.memory_space<vmem>>
        %dma_wait3A_277 = tpu.memref_squeeze %dma_wait3A_276 : memref<1x80xi32, #tpu.memory_space<vmem>> -> memref<80xi32, #tpu.memory_space<vmem>>
        %dma_wait3A_278 = arith.constant 0 : i32
        %dma_wait3A_279 = arith.constant 0 : i32
        %dma_wait3A_280 = tpu.memref_slice %arg14[%dma_wait3A_278, %dma_wait3A_279] : memref<10000x128xf32, #tpu.memory_space<vmem_shared>> -> memref<10000x128xf32, #tpu.memory_space<vmem_shared>>
        tpu.wait_indirect_dma semaphore(%run_scoped3A_268 : memref<!tpu.dma_semaphore, #tpu.memory_space<semaphore_mem>>) src(%arg9 : memref<80x128xf32, #tpu.memory_space<vmem>>) dst(%dma_wait3A_280 : memref<10000x128xf32, #tpu.memory_space<vmem_shared>>)
        tpu.yield
      }) : () -> ()
      %get3A_203 = arith.constant 3 : i32
      %get3A_204 = arith.constant 0 : i32
      %get3A_205 = arith.index_cast %get3A_203 : i32 to index
      %get3A_206 = arith.index_cast %get3A_204 : i32 to index
      %get3A_207 = tpu.vector_load %arg8[%get3A_205, %get3A_206] {strides = array<i32>} : memref<5x80xi32, #tpu.memory_space<vmem>>, vector<16xi32>,
      tpu.vector_store_idx %arg13[%broadcast_in_dim3A_3, %get3A_207], %broadcast_in_dim3A_5 {add = true} : memref<1x10000xf32, #tpu.memory_space<vmem>>[vector<16xi32>, vector<16xi32>], vector<16xf32>,
      %get3A_208 = arith.constant 3 : i32
      %get3A_209 = arith.constant 16 : i32
      %get3A_210 = arith.index_cast %get3A_208 : i32 to index
      %get3A_211 = arith.index_cast %get3A_209 : i32 to index
      %get3A_212 = tpu.vector_load %arg8[%get3A_210, %get3A_211] {strides = array<i32>} : memref<5x80xi32, #tpu.memory_space<vmem>>, vector<16xi32>,
      tpu.vector_store_idx %arg13[%broadcast_in_dim3A_3, %get3A_212], %broadcast_in_dim3A_5 {add = true} : memref<1x10000xf32, #tpu.memory_space<vmem>>[vector<16xi32>, vector<16xi32>], vector<16xf32>,
      %get3A_213 = arith.constant 3 : i32
      %get3A_214 = arith.constant 32 : i32
      %get3A_215 = arith.index_cast %get3A_213 : i32 to index
      %get3A_216 = arith.index_cast %get3A_214 : i32 to index
      %get3A_217 = tpu.vector_load %arg8[%get3A_215, %get3A_216] {strides = array<i32>} : memref<5x80xi32, #tpu.memory_space<vmem>>, vector<16xi32>,
      tpu.vector_store_idx %arg13[%broadcast_in_dim3A_3, %get3A_217], %broadcast_in_dim3A_5 {add = true} : memref<1x10000xf32, #tpu.memory_space<vmem>>[vector<16xi32>, vector<16xi32>], vector<16xf32>,
      %get3A_218 = arith.constant 3 : i32
      %get3A_219 = arith.constant 48 : i32
      %get3A_220 = arith.index_cast %get3A_218 : i32 to index
      %get3A_221 = arith.index_cast %get3A_219 : i32 to index
      %get3A_222 = tpu.vector_load %arg8[%get3A_220, %get3A_221] {strides = array<i32>} : memref<5x80xi32, #tpu.memory_space<vmem>>, vector<16xi32>,
      tpu.vector_store_idx %arg13[%broadcast_in_dim3A_3, %get3A_222], %broadcast_in_dim3A_5 {add = true} : memref<1x10000xf32, #tpu.memory_space<vmem>>[vector<16xi32>, vector<16xi32>], vector<16xf32>,
      %get3A_223 = arith.constant 3 : i32
      %get3A_224 = arith.constant 64 : i32
      %get3A_225 = arith.index_cast %get3A_223 : i32 to index
      %get3A_226 = arith.index_cast %get3A_224 : i32 to index
      %get3A_227 = tpu.vector_load %arg8[%get3A_225, %get3A_226] {strides = array<i32>} : memref<5x80xi32, #tpu.memory_space<vmem>>, vector<16xi32>,
      tpu.vector_store_idx %arg13[%broadcast_in_dim3A_3, %get3A_227], %broadcast_in_dim3A_5 {add = true} : memref<1x10000xf32, #tpu.memory_space<vmem>>[vector<16xi32>, vector<16xi32>], vector<16xf32>,
      %dma_start3A_228 = arith.constant 4 : i32
      %dma_start3A_229 = arith.constant 0 : i32
      %dma_start3A_230 = tpu.memref_slice %arg7[%dma_start3A_228, %dma_start3A_229] : memref<5x80xi32, #tpu.memory_space<vmem>> -> memref<1x80xi32, #tpu.memory_space<vmem>>
      %dma_start3A_231 = tpu.memref_squeeze %dma_start3A_230 : memref<1x80xi32, #tpu.memory_space<vmem>> -> memref<80xi32, #tpu.memory_space<vmem>>
      %dma_start3A_232 = arith.constant 0 : i32
      %dma_start3A_233 = arith.constant 0 : i32
      %dma_start3A_234 = tpu.memref_slice %arg2[%dma_start3A_232, %dma_start3A_233] : memref<10000x128xf32, #tpu.memory_space<hbm>> -> memref<10000x128xf32, #tpu.memory_space<hbm>>
      tpu.enqueue_indirect_dma source(%dma_start3A_234 : memref<10000x128xf32, #tpu.memory_space<hbm>>) target(%arg9 : memref<80x128xf32, #tpu.memory_space<vmem>>) offsets(%dma_start3A_231 : memref<80xi32, #tpu.memory_space<vmem>>) semaphore(%arg15 : memref<!tpu.dma_semaphore, #tpu.memory_space<semaphore_mem>>)
      %dma_wait3A_235 = arith.constant 4 : i32
      %dma_wait3A_236 = arith.constant 0 : i32
      %dma_wait3A_237 = tpu.memref_slice %arg7[%dma_wait3A_235, %dma_wait3A_236] : memref<5x80xi32, #tpu.memory_space<vmem>> -> memref<1x80xi32, #tpu.memory_space<vmem>>
      %dma_wait3A_238 = tpu.memref_squeeze %dma_wait3A_237 : memref<1x80xi32, #tpu.memory_space<vmem>> -> memref<80xi32, #tpu.memory_space<vmem>>
      %dma_wait3A_239 = arith.constant 0 : i32
      %dma_wait3A_240 = arith.constant 0 : i32
      %dma_wait3A_241 = tpu.memref_slice %arg2[%dma_wait3A_239, %dma_wait3A_240] : memref<10000x128xf32, #tpu.memory_space<hbm>> -> memref<10000x128xf32, #tpu.memory_space<hbm>>
      tpu.wait_indirect_dma semaphore(%arg15 : memref<!tpu.dma_semaphore, #tpu.memory_space<semaphore_mem>>) src(%dma_wait3A_241 : memref<10000x128xf32, #tpu.memory_space<hbm>>) dst(%arg9 : memref<80x128xf32, #tpu.memory_space<vmem>>)
      %run_scoped3A_242 = arith.constant 4 : i32
      "tpu.region"() ({
        %run_scoped3A_268 = tpu.sem_alloc : memref<!tpu.dma_semaphore, #tpu.memory_space<semaphore_mem>>
        %dma_start3A_269 = arith.constant 0 : i32
        %dma_start3A_270 = tpu.memref_slice %arg8[%run_scoped3A_242, %dma_start3A_269] : memref<5x80xi32, #tpu.memory_space<vmem>> -> memref<1x80xi32, #tpu.memory_space<vmem>>
        %dma_start3A_271 = tpu.memref_squeeze %dma_start3A_270 : memref<1x80xi32, #tpu.memory_space<vmem>> -> memref<80xi32, #tpu.memory_space<vmem>>
        %dma_start3A_272 = arith.constant 0 : i32
        %dma_start3A_273 = arith.constant 0 : i32
        %dma_start3A_274 = tpu.memref_slice %arg14[%dma_start3A_272, %dma_start3A_273] : memref<10000x128xf32, #tpu.memory_space<vmem_shared>> -> memref<10000x128xf32, #tpu.memory_space<vmem_shared>>
        tpu.enqueue_indirect_dma source(%arg9 : memref<80x128xf32, #tpu.memory_space<vmem>>) target(%dma_start3A_274 : memref<10000x128xf32, #tpu.memory_space<vmem_shared>>) offsets(%dma_start3A_271 : memref<80xi32, #tpu.memory_space<vmem>>) semaphore(%run_scoped3A_268 : memref<!tpu.dma_semaphore, #tpu.memory_space<semaphore_mem>>) {add = true}
        %dma_wait3A_275 = arith.constant 0 : i32
        %dma_wait3A_276 = tpu.memref_slice %arg8[%run_scoped3A_242, %dma_wait3A_275] : memref<5x80xi32, #tpu.memory_space<vmem>> -> memref<1x80xi32, #tpu.memory_space<vmem>>
        %dma_wait3A_277 = tpu.memref_squeeze %dma_wait3A_276 : memref<1x80xi32, #tpu.memory_space<vmem>> -> memref<80xi32, #tpu.memory_space<vmem>>
        %dma_wait3A_278 = arith.constant 0 : i32
        %dma_wait3A_279 = arith.constant 0 : i32
        %dma_wait3A_280 = tpu.memref_slice %arg14[%dma_wait3A_278, %dma_wait3A_279] : memref<10000x128xf32, #tpu.memory_space<vmem_shared>> -> memref<10000x128xf32, #tpu.memory_space<vmem_shared>>
        tpu.wait_indirect_dma semaphore(%run_scoped3A_268 : memref<!tpu.dma_semaphore, #tpu.memory_space<semaphore_mem>>) src(%arg9 : memref<80x128xf32, #tpu.memory_space<vmem>>) dst(%dma_wait3A_280 : memref<10000x128xf32, #tpu.memory_space<vmem_shared>>)
        tpu.yield
      }) : () -> ()
      %get3A_243 = arith.constant 4 : i32
      %get3A_244 = arith.constant 0 : i32
      %get3A_245 = arith.index_cast %get3A_243 : i32 to index
      %get3A_246 = arith.index_cast %get3A_244 : i32 to index
      %get3A_247 = tpu.vector_load %arg8[%get3A_245, %get3A_246] {strides = array<i32>} : memref<5x80xi32, #tpu.memory_space<vmem>>, vector<16xi32>,
      tpu.vector_store_idx %arg13[%broadcast_in_dim3A_3, %get3A_247], %broadcast_in_dim3A_5 {add = true} : memref<1x10000xf32, #tpu.memory_space<vmem>>[vector<16xi32>, vector<16xi32>], vector<16xf32>,
      %get3A_248 = arith.constant 4 : i32
      %get3A_249 = arith.constant 16 : i32
      %get3A_250 = arith.index_cast %get3A_248 : i32 to index
      %get3A_251 = arith.index_cast %get3A_249 : i32 to index
      %get3A_252 = tpu.vector_load %arg8[%get3A_250, %get3A_251] {strides = array<i32>} : memref<5x80xi32, #tpu.memory_space<vmem>>, vector<16xi32>,
      tpu.vector_store_idx %arg13[%broadcast_in_dim3A_3, %get3A_252], %broadcast_in_dim3A_5 {add = true} : memref<1x10000xf32, #tpu.memory_space<vmem>>[vector<16xi32>, vector<16xi32>], vector<16xf32>,
      %get3A_253 = arith.constant 4 : i32
      %get3A_254 = arith.constant 32 : i32
      %get3A_255 = arith.index_cast %get3A_253 : i32 to index
      %get3A_256 = arith.index_cast %get3A_254 : i32 to index
      %get3A_257 = tpu.vector_load %arg8[%get3A_255, %get3A_256] {strides = array<i32>} : memref<5x80xi32, #tpu.memory_space<vmem>>, vector<16xi32>,
      tpu.vector_store_idx %arg13[%broadcast_in_dim3A_3, %get3A_257], %broadcast_in_dim3A_5 {add = true} : memref<1x10000xf32, #tpu.memory_space<vmem>>[vector<16xi32>, vector<16xi32>], vector<16xf32>,
      %get3A_258 = arith.constant 4 : i32
      %get3A_259 = arith.constant 48 : i32
      %get3A_260 = arith.index_cast %get3A_258 : i32 to index
      %get3A_261 = arith.index_cast %get3A_259 : i32 to index
      %get3A_262 = tpu.vector_load %arg8[%get3A_260, %get3A_261] {strides = array<i32>} : memref<5x80xi32, #tpu.memory_space<vmem>>, vector<16xi32>,
      tpu.vector_store_idx %arg13[%broadcast_in_dim3A_3, %get3A_262], %broadcast_in_dim3A_5 {add = true} : memref<1x10000xf32, #tpu.memory_space<vmem>>[vector<16xi32>, vector<16xi32>], vector<16xf32>,
      %get3A_263 = arith.constant 4 : i32
      %get3A_264 = arith.constant 64 : i32
      %get3A_265 = arith.index_cast %get3A_263 : i32 to index
      %get3A_266 = arith.index_cast %get3A_264 : i32 to index
      %get3A_267 = tpu.vector_load %arg8[%get3A_265, %get3A_266] {strides = array<i32>} : memref<5x80xi32, #tpu.memory_space<vmem>>, vector<16xi32>,
      tpu.vector_store_idx %arg13[%broadcast_in_dim3A_3, %get3A_267], %broadcast_in_dim3A_5 {add = true} : memref<1x10000xf32, #tpu.memory_space<vmem>>[vector<16xi32>, vector<16xi32>], vector<16xf32>,
    }
    %barrier3A_52 = arith.constant 0 : index
    tpu.barrier barrier_id(%barrier3A_52)
    %while3A_53 = arith.constant 0 : i32
    %while3A_54 = arith.constant 0 : i32
    %while3A_55 = arith.constant 8 : i32
    %while3A_56 = arith.subi %while3A_55, %while3A_54 : i32
    %while3A_57 = arith.addi %while3A_54, %while3A_56 : i32
    %while3A_58 = arith.constant 1 : i32
    %while3A_59 = arith.divsi %while3A_56, %while3A_58 : i32
    %while3A_60 = arith.muli %while3A_59, %while3A_58 : i32
    %while3A_61 = arith.addi %while3A_54, %while3A_60 : i32
    %while3A_62 = arith.constant 1 : i32
    scf.for %while3A_64 = %while3A_54 to %while3A_61 step %while3A_62  : i32 {
      %mul3A_65 = arith.constant 1 : i32
      %mul3A_66 = arith.muli %while3A_64, %mul3A_65 : i32
      %add3A_67 = arith.constant 0 : i32
      %add3A_68 = arith.addi %add3A_67, %mul3A_66 : i32
      %mul3A_69 = arith.constant 80 : i32
      %mul3A_70 = arith.muli %add3A_68, %mul3A_69 : i32
      %add3A_71 = arith.addi %mul3A_29, %mul3A_70 : i32
      %add3A_72 = vector.broadcast %add3A_71 : i32 to vector<16xi32>
      %add3A_73 = arith.addi %iota3A, %add3A_72 : vector<16xi32>
      %add3A_74 = arith.constant 0 : i32
      %add3A_75 = vector.broadcast %add3A_74 : i32 to vector<16xi32>
      %add3A_76 = arith.addi %add3A_73, %add3A_75 : vector<16xi32>
      %swap3A = arith.constant 0 : i32
      %swap3A_77 = arith.index_cast %swap3A : i32 to index
      %swap3A_78 = tpu.vector_load %arg12[%swap3A_77] {strides = array<i32>} : memref<80xi32, #tpu.memory_space<vmem>>, vector<16xi32>,
      tpu.vector_store %arg12[%swap3A_77], %add3A_76 {strides = array<i32>} : memref<80xi32, #tpu.memory_space<vmem>>, vector<16xi32>,
      %add3A_79 = vector.broadcast %add3A_71 : i32 to vector<16xi32>
      %add3A_80 = arith.addi %iota3A, %add3A_79 : vector<16xi32>
      %add3A_81 = arith.constant 16 : i32
      %add3A_82 = vector.broadcast %add3A_81 : i32 to vector<16xi32>
      %add3A_83 = arith.addi %add3A_80, %add3A_82 : vector<16xi32>
      %swap3A_84 = arith.constant 16 : i32
      %swap3A_85 = arith.index_cast %swap3A_84 : i32 to index
      %swap3A_86 = tpu.vector_load %arg12[%swap3A_85] {strides = array<i32>} : memref<80xi32, #tpu.memory_space<vmem>>, vector<16xi32>,
      tpu.vector_store %arg12[%swap3A_85], %add3A_83 {strides = array<i32>} : memref<80xi32, #tpu.memory_space<vmem>>, vector<16xi32>,
      %add3A_87 = vector.broadcast %add3A_71 : i32 to vector<16xi32>
      %add3A_88 = arith.addi %iota3A, %add3A_87 : vector<16xi32>
      %add3A_89 = arith.constant 32 : i32
      %add3A_90 = vector.broadcast %add3A_89 : i32 to vector<16xi32>
      %add3A_91 = arith.addi %add3A_88, %add3A_90 : vector<16xi32>
      %swap3A_92 = arith.constant 32 : i32
      %swap3A_93 = arith.index_cast %swap3A_92 : i32 to index
      %swap3A_94 = tpu.vector_load %arg12[%swap3A_93] {strides = array<i32>} : memref<80xi32, #tpu.memory_space<vmem>>, vector<16xi32>,
      tpu.vector_store %arg12[%swap3A_93], %add3A_91 {strides = array<i32>} : memref<80xi32, #tpu.memory_space<vmem>>, vector<16xi32>,
      %add3A_95 = vector.broadcast %add3A_71 : i32 to vector<16xi32>
      %add3A_96 = arith.addi %iota3A, %add3A_95 : vector<16xi32>
      %add3A_97 = arith.constant 48 : i32
      %add3A_98 = vector.broadcast %add3A_97 : i32 to vector<16xi32>
      %add3A_99 = arith.addi %add3A_96, %add3A_98 : vector<16xi32>
      %swap3A_100 = arith.constant 48 : i32
      %swap3A_101 = arith.index_cast %swap3A_100 : i32 to index
      %swap3A_102 = tpu.vector_load %arg12[%swap3A_101] {strides = array<i32>} : memref<80xi32, #tpu.memory_space<vmem>>, vector<16xi32>,
      tpu.vector_store %arg12[%swap3A_101], %add3A_99 {strides = array<i32>} : memref<80xi32, #tpu.memory_space<vmem>>, vector<16xi32>,
      %add3A_103 = vector.broadcast %add3A_71 : i32 to vector<16xi32>
      %add3A_104 = arith.addi %iota3A, %add3A_103 : vector<16xi32>
      %add3A_105 = arith.constant 64 : i32
      %add3A_106 = vector.broadcast %add3A_105 : i32 to vector<16xi32>
      %add3A_107 = arith.addi %add3A_104, %add3A_106 : vector<16xi32>
      %swap3A_108 = arith.constant 64 : i32
      %swap3A_109 = arith.index_cast %swap3A_108 : i32 to index
      %swap3A_110 = tpu.vector_load %arg12[%swap3A_109] {strides = array<i32>} : memref<80xi32, #tpu.memory_space<vmem>>, vector<16xi32>,
      tpu.vector_store %arg12[%swap3A_109], %add3A_107 {strides = array<i32>} : memref<80xi32, #tpu.memory_space<vmem>>, vector<16xi32>,
      "tpu.region"() ({
        %run_scoped3A = tpu.sem_alloc : memref<!tpu.dma_semaphore, #tpu.memory_space<semaphore_mem>>
        %dma_start3A = arith.constant 0 : i32
        %dma_start3A_111 = arith.constant 0 : i32
        %dma_start3A_112 = tpu.memref_slice %arg14[%dma_start3A, %dma_start3A_111] : memref<10000x128xf32, #tpu.memory_space<vmem_shared>> -> memref<10000x128xf32, #tpu.memory_space<vmem_shared>>
        tpu.enqueue_indirect_dma source(%dma_start3A_112 : memref<10000x128xf32, #tpu.memory_space<vmem_shared>>) target(%arg9 : memref<80x128xf32, #tpu.memory_space<vmem>>) offsets(%arg12 : memref<80xi32, #tpu.memory_space<vmem>>) semaphore(%run_scoped3A : memref<!tpu.dma_semaphore, #tpu.memory_space<semaphore_mem>>)
        %dma_wait3A = arith.constant 0 : i32
        %dma_wait3A_113 = arith.constant 0 : i32
        %dma_wait3A_114 = tpu.memref_slice %arg14[%dma_wait3A, %dma_wait3A_113] : memref<10000x128xf32, #tpu.memory_space<vmem_shared>> -> memref<10000x128xf32, #tpu.memory_space<vmem_shared>>
        tpu.wait_indirect_dma semaphore(%run_scoped3A : memref<!tpu.dma_semaphore, #tpu.memory_space<semaphore_mem>>) src(%dma_wait3A_114 : memref<10000x128xf32, #tpu.memory_space<vmem_shared>>) dst(%arg9 : memref<80x128xf32, #tpu.memory_space<vmem>>)
        tpu.yield
      }) : () -> ()
      "tpu.region"() ({
        %run_scoped3A = tpu.sem_alloc : memref<!tpu.dma_semaphore, #tpu.memory_space<semaphore_mem>>
        %dma_start3A = arith.constant 0 : i32
        %dma_start3A_111 = tpu.memref_slice %arg5[%arg0, %add3A_71, %dma_start3A] : memref<2x10000x128xf32, #tpu.memory_space<hbm>> -> memref<1x80x128xf32, #tpu.memory_space<hbm>>
        %dma_start3A_112 = tpu.memref_squeeze %dma_start3A_111 : memref<1x80x128xf32, #tpu.memory_space<hbm>> -> memref<80x128xf32, #tpu.memory_space<hbm>>
        %dma_start3A_113 = arith.constant 0 : i32
        %dma_start3A_114 = tpu.memref_slice %arg5[%arg0, %add3A_71, %dma_start3A_113] : memref<2x10000x128xf32, #tpu.memory_space<hbm>> -> memref<1x80x128xf32, #tpu.memory_space<hbm>>
        %dma_start3A_115 = tpu.memref_squeeze %dma_start3A_114 : memref<1x80x128xf32, #tpu.memory_space<hbm>> -> memref<80x128xf32, #tpu.memory_space<hbm>>
        tpu.enqueue_dma source(%arg9 : memref<80x128xf32, #tpu.memory_space<vmem>>) target(%dma_start3A_115 : memref<80x128xf32, #tpu.memory_space<hbm>>) target_semaphore(%run_scoped3A : memref<!tpu.dma_semaphore, #tpu.memory_space<semaphore_mem>>)
        %dma_wait3A = arith.constant 0 : i32
        %dma_wait3A_116 = tpu.memref_slice %arg5[%arg0, %add3A_71, %dma_wait3A] : memref<2x10000x128xf32, #tpu.memory_space<hbm>> -> memref<1x80x128xf32, #tpu.memory_space<hbm>>
        %dma_wait3A_117 = tpu.memref_squeeze %dma_wait3A_116 : memref<1x80x128xf32, #tpu.memory_space<hbm>> -> memref<80x128xf32, #tpu.memory_space<hbm>>
        %dma_wait3A_118 = arith.constant 0 : i32
        %dma_wait3A_119 = tpu.memref_slice %arg5[%arg0, %add3A_71, %dma_wait3A_118] : memref<2x10000x128xf32, #tpu.memory_space<hbm>> -> memref<1x80x128xf32, #tpu.memory_space<hbm>>
        %dma_wait3A_120 = tpu.memref_squeeze %dma_wait3A_119 : memref<1x80x128xf32, #tpu.memory_space<hbm>> -> memref<80x128xf32, #tpu.memory_space<hbm>>
        tpu.wait_dma2 semaphore(%run_scoped3A : memref<!tpu.dma_semaphore, #tpu.memory_space<semaphore_mem>>) src(%arg9 : memref<80x128xf32, #tpu.memory_space<vmem>>) dst(%dma_wait3A_120 : memref<80x128xf32, #tpu.memory_space<hbm>>)
        tpu.yield
      }) : () -> ()
    }
    %while3A_63 = arith.constant 1 : i32
    scf.for %while3A_64 = %while3A_61 to %while3A_57 step %while3A_63  : i32 {
      %mul3A_65 = arith.constant 1 : i32
      %mul3A_66 = arith.muli %while3A_64, %mul3A_65 : i32
      %add3A_67 = arith.constant 0 : i32
      %add3A_68 = arith.addi %add3A_67, %mul3A_66 : i32
      %mul3A_69 = arith.constant 80 : i32
      %mul3A_70 = arith.muli %add3A_68, %mul3A_69 : i32
      %add3A_71 = arith.addi %mul3A_29, %mul3A_70 : i32
      %add3A_72 = vector.broadcast %add3A_71 : i32 to vector<16xi32>
      %add3A_73 = arith.addi %iota3A, %add3A_72 : vector<16xi32>
      %add3A_74 = arith.constant 0 : i32
      %add3A_75 = vector.broadcast %add3A_74 : i32 to vector<16xi32>
      %add3A_76 = arith.addi %add3A_73, %add3A_75 : vector<16xi32>
      %swap3A = arith.constant 0 : i32
      %swap3A_77 = arith.index_cast %swap3A : i32 to index
      %swap3A_78 = tpu.vector_load %arg12[%swap3A_77] {strides = array<i32>} : memref<80xi32, #tpu.memory_space<vmem>>, vector<16xi32>,
      tpu.vector_store %arg12[%swap3A_77], %add3A_76 {strides = array<i32>} : memref<80xi32, #tpu.memory_space<vmem>>, vector<16xi32>,
      %add3A_79 = vector.broadcast %add3A_71 : i32 to vector<16xi32>
      %add3A_80 = arith.addi %iota3A, %add3A_79 : vector<16xi32>
      %add3A_81 = arith.constant 16 : i32
      %add3A_82 = vector.broadcast %add3A_81 : i32 to vector<16xi32>
      %add3A_83 = arith.addi %add3A_80, %add3A_82 : vector<16xi32>
      %swap3A_84 = arith.constant 16 : i32
      %swap3A_85 = arith.index_cast %swap3A_84 : i32 to index
      %swap3A_86 = tpu.vector_load %arg12[%swap3A_85] {strides = array<i32>} : memref<80xi32, #tpu.memory_space<vmem>>, vector<16xi32>,
      tpu.vector_store %arg12[%swap3A_85], %add3A_83 {strides = array<i32>} : memref<80xi32, #tpu.memory_space<vmem>>, vector<16xi32>,
      %add3A_87 = vector.broadcast %add3A_71 : i32 to vector<16xi32>
      %add3A_88 = arith.addi %iota3A, %add3A_87 : vector<16xi32>
      %add3A_89 = arith.constant 32 : i32
      %add3A_90 = vector.broadcast %add3A_89 : i32 to vector<16xi32>
      %add3A_91 = arith.addi %add3A_88, %add3A_90 : vector<16xi32>
      %swap3A_92 = arith.constant 32 : i32
      %swap3A_93 = arith.index_cast %swap3A_92 : i32 to index
      %swap3A_94 = tpu.vector_load %arg12[%swap3A_93] {strides = array<i32>} : memref<80xi32, #tpu.memory_space<vmem>>, vector<16xi32>,
      tpu.vector_store %arg12[%swap3A_93], %add3A_91 {strides = array<i32>} : memref<80xi32, #tpu.memory_space<vmem>>, vector<16xi32>,
      %add3A_95 = vector.broadcast %add3A_71 : i32 to vector<16xi32>
      %add3A_96 = arith.addi %iota3A, %add3A_95 : vector<16xi32>
      %add3A_97 = arith.constant 48 : i32
      %add3A_98 = vector.broadcast %add3A_97 : i32 to vector<16xi32>
      %add3A_99 = arith.addi %add3A_96, %add3A_98 : vector<16xi32>
      %swap3A_100 = arith.constant 48 : i32
      %swap3A_101 = arith.index_cast %swap3A_100 : i32 to index
      %swap3A_102 = tpu.vector_load %arg12[%swap3A_101] {strides = array<i32>} : memref<80xi32, #tpu.memory_space<vmem>>, vector<16xi32>,
      tpu.vector_store %arg12[%swap3A_101], %add3A_99 {strides = array<i32>} : memref<80xi32, #tpu.memory_space<vmem>>, vector<16xi32>,
      %add3A_103 = vector.broadcast %add3A_71 : i32 to vector<16xi32>
      %add3A_104 = arith.addi %iota3A, %add3A_103 : vector<16xi32>
      %add3A_105 = arith.constant 64 : i32
      %add3A_106 = vector.broadcast %add3A_105 : i32 to vector<16xi32>
      %add3A_107 = arith.addi %add3A_104, %add3A_106 : vector<16xi32>
      %swap3A_108 = arith.constant 64 : i32
      %swap3A_109 = arith.index_cast %swap3A_108 : i32 to index
      %swap3A_110 = tpu.vector_load %arg12[%swap3A_109] {strides = array<i32>} : memref<80xi32, #tpu.memory_space<vmem>>, vector<16xi32>,
      tpu.vector_store %arg12[%swap3A_109], %add3A_107 {strides = array<i32>} : memref<80xi32, #tpu.memory_space<vmem>>, vector<16xi32>,
      "tpu.region"() ({
        %run_scoped3A = tpu.sem_alloc : memref<!tpu.dma_semaphore, #tpu.memory_space<semaphore_mem>>
        %dma_start3A = arith.constant 0 : i32
        %dma_start3A_111 = arith.constant 0 : i32
        %dma_start3A_112 = tpu.memref_slice %arg14[%dma_start3A, %dma_start3A_111] : memref<10000x128xf32, #tpu.memory_space<vmem_shared>> -> memref<10000x128xf32, #tpu.memory_space<vmem_shared>>
        tpu.enqueue_indirect_dma source(%dma_start3A_112 : memref<10000x128xf32, #tpu.memory_space<vmem_shared>>) target(%arg9 : memref<80x128xf32, #tpu.memory_space<vmem>>) offsets(%arg12 : memref<80xi32, #tpu.memory_space<vmem>>) semaphore(%run_scoped3A : memref<!tpu.dma_semaphore, #tpu.memory_space<semaphore_mem>>)
        %dma_wait3A = arith.constant 0 : i32
        %dma_wait3A_113 = arith.constant 0 : i32
        %dma_wait3A_114 = tpu.memref_slice %arg14[%dma_wait3A, %dma_wait3A_113] : memref<10000x128xf32, #tpu.memory_space<vmem_shared>> -> memref<10000x128xf32, #tpu.memory_space<vmem_shared>>
        tpu.wait_indirect_dma semaphore(%run_scoped3A : memref<!tpu.dma_semaphore, #tpu.memory_space<semaphore_mem>>) src(%dma_wait3A_114 : memref<10000x128xf32, #tpu.memory_space<vmem_shared>>) dst(%arg9 : memref<80x128xf32, #tpu.memory_space<vmem>>)
        tpu.yield
      }) : () -> ()
      "tpu.region"() ({
        %run_scoped3A = tpu.sem_alloc : memref<!tpu.dma_semaphore, #tpu.memory_space<semaphore_mem>>
        %dma_start3A = arith.constant 0 : i32
        %dma_start3A_111 = tpu.memref_slice %arg5[%arg0, %add3A_71, %dma_start3A] : memref<2x10000x128xf32, #tpu.memory_space<hbm>> -> memref<1x80x128xf32, #tpu.memory_space<hbm>>
        %dma_start3A_112 = tpu.memref_squeeze %dma_start3A_111 : memref<1x80x128xf32, #tpu.memory_space<hbm>> -> memref<80x128xf32, #tpu.memory_space<hbm>>
        %dma_start3A_113 = arith.constant 0 : i32
        %dma_start3A_114 = tpu.memref_slice %arg5[%arg0, %add3A_71, %dma_start3A_113] : memref<2x10000x128xf32, #tpu.memory_space<hbm>> -> memref<1x80x128xf32, #tpu.memory_space<hbm>>
        %dma_start3A_115 = tpu.memref_squeeze %dma_start3A_114 : memref<1x80x128xf32, #tpu.memory_space<hbm>> -> memref<80x128xf32, #tpu.memory_space<hbm>>
        tpu.enqueue_dma source(%arg9 : memref<80x128xf32, #tpu.memory_space<vmem>>) target(%dma_start3A_115 : memref<80x128xf32, #tpu.memory_space<hbm>>) target_semaphore(%run_scoped3A : memref<!tpu.dma_semaphore, #tpu.memory_space<semaphore_mem>>)
        %dma_wait3A = arith.constant 0 : i32
        %dma_wait3A_116 = tpu.memref_slice %arg5[%arg0, %add3A_71, %dma_wait3A] : memref<2x10000x128xf32, #tpu.memory_space<hbm>> -> memref<1x80x128xf32, #tpu.memory_space<hbm>>
        %dma_wait3A_117 = tpu.memref_squeeze %dma_wait3A_116 : memref<1x80x128xf32, #tpu.memory_space<hbm>> -> memref<80x128xf32, #tpu.memory_space<hbm>>
        %dma_wait3A_118 = arith.constant 0 : i32
        %dma_wait3A_119 = tpu.memref_slice %arg5[%arg0, %add3A_71, %dma_wait3A_118] : memref<2x10000x128xf32, #tpu.memory_space<hbm>> -> memref<1x80x128xf32, #tpu.memory_space<hbm>>
        %dma_wait3A_120 = tpu.memref_squeeze %dma_wait3A_119 : memref<1x80x128xf32, #tpu.memory_space<hbm>> -> memref<80x128xf32, #tpu.memory_space<hbm>>
        tpu.wait_dma2 semaphore(%run_scoped3A : memref<!tpu.dma_semaphore, #tpu.memory_space<semaphore_mem>>) src(%arg9 : memref<80x128xf32, #tpu.memory_space<vmem>>) dst(%dma_wait3A_120 : memref<80x128xf32, #tpu.memory_space<hbm>>)
        tpu.yield
      }) : () -> ()
    }
    "tpu.region"() ({
      %run_scoped3A = tpu.sem_alloc : memref<!tpu.dma_semaphore, #tpu.memory_space<semaphore_mem>>
      %dma_start3A = arith.constant 0 : i32
      %dma_start3A_64 = arith.constant 0 : i32
      %dma_start3A_65 = tpu.memref_slice %arg6[%add3A, %dma_start3A, %dma_start3A_64] : memref<32x1x10000xf32, #tpu.memory_space<hbm>> -> memref<1x1x10000xf32, #tpu.memory_space<hbm>>
      %dma_start3A_66 = tpu.memref_squeeze %dma_start3A_65 : memref<1x1x10000xf32, #tpu.memory_space<hbm>> -> memref<1x10000xf32, #tpu.memory_space<hbm>>
      %dma_start3A_67 = arith.constant 0 : i32
      %dma_start3A_68 = arith.constant 0 : i32
      %dma_start3A_69 = tpu.memref_slice %arg6[%add3A, %dma_start3A_67, %dma_start3A_68] : memref<32x1x10000xf32, #tpu.memory_space<hbm>> -> memref<1x1x10000xf32, #tpu.memory_space<hbm>>
      %dma_start3A_70 = tpu.memref_squeeze %dma_start3A_69 : memref<1x1x10000xf32, #tpu.memory_space<hbm>> -> memref<1x10000xf32, #tpu.memory_space<hbm>>
      tpu.enqueue_dma source(%arg13 : memref<1x10000xf32, #tpu.memory_space<vmem>>) target(%dma_start3A_70 : memref<1x10000xf32, #tpu.memory_space<hbm>>) target_semaphore(%run_scoped3A : memref<!tpu.dma_semaphore, #tpu.memory_space<semaphore_mem>>)
      %dma_wait3A = arith.constant 0 : i32
      %dma_wait3A_71 = arith.constant 0 : i32
      %dma_wait3A_72 = tpu.memref_slice %arg6[%add3A, %dma_wait3A, %dma_wait3A_71] : memref<32x1x10000xf32, #tpu.memory_space<hbm>> -> memref<1x1x10000xf32, #tpu.memory_space<hbm>>
      %dma_wait3A_73 = tpu.memref_squeeze %dma_wait3A_72 : memref<1x1x10000xf32, #tpu.memory_space<hbm>> -> memref<1x10000xf32, #tpu.memory_space<hbm>>
      %dma_wait3A_74 = arith.constant 0 : i32
      %dma_wait3A_75 = arith.constant 0 : i32
      %dma_wait3A_76 = tpu.memref_slice %arg6[%add3A, %dma_wait3A_74, %dma_wait3A_75] : memref<32x1x10000xf32, #tpu.memory_space<hbm>> -> memref<1x1x10000xf32, #tpu.memory_space<hbm>>
      %dma_wait3A_77 = tpu.memref_squeeze %dma_wait3A_76 : memref<1x1x10000xf32, #tpu.memory_space<hbm>> -> memref<1x10000xf32, #tpu.memory_space<hbm>>
      tpu.wait_dma2 semaphore(%run_scoped3A : memref<!tpu.dma_semaphore, #tpu.memory_space<semaphore_mem>>) src(%arg13 : memref<1x10000xf32, #tpu.memory_space<vmem>>) dst(%dma_wait3A_77 : memref<1x10000xf32, #tpu.memory_space<hbm>>)
      tpu.yield
    }) : () -> ()
    return
  }
}

module attributes {stable_mosaic.version = 14 : i64} {
  func.func @body(%arg0: memref<10000x128xf32, #tpu.memory_space<vmem>>, %arg1: memref<2x10000x128xf32, #tpu.memory_space<vmem>>, %arg2: memref<32x10000xf32, #tpu.memory_space<vmem>>, %arg3: memref<256x128xf32, #tpu.memory_space<vmem>>, %arg4: memref<1x128xf32, #tpu.memory_space<vmem>>, %arg5: memref<128x128xf32, #tpu.memory_space<vmem>>, %arg6: memref<1x128xf32, #tpu.memory_space<vmem>>, %arg7: memref<10000x128xf32, #tpu.memory_space<vmem>>) attributes {dimension_semantics = [], scalar_prefetch = 0 : i64, scratch_operands = 0 : i64, tpu.core_type = #tpu.core_type<tc>} {
    %get3A = arith.constant 0 : index
    %get3A_0 = arith.constant 0 : index
    %get3A_1 = arith.constant 0 : index
    %get3A_2 = vector.load %arg1[%get3A, %get3A_0, %get3A_1] : memref<2x10000x128xf32, #tpu.memory_space<vmem>>, vector<1x10000x128xf32>
    %get3A_3 = vector.shape_cast %get3A_2 : vector<1x10000x128xf32> to vector<10000x128xf32>
    %get3A_4 = arith.constant 1 : index
    %get3A_5 = arith.constant 0 : index
    %get3A_6 = arith.constant 0 : index
    %get3A_7 = vector.load %arg1[%get3A_4, %get3A_5, %get3A_6] : memref<2x10000x128xf32, #tpu.memory_space<vmem>>, vector<1x10000x128xf32>
    %get3A_8 = vector.shape_cast %get3A_7 : vector<1x10000x128xf32> to vector<10000x128xf32>
    %add3A = arith.addf %get3A_3, %get3A_8 : vector<10000x128xf32>
    %get3A_9 = arith.constant 0 : index
    %get3A_10 = arith.constant 0 : index
    %get3A_11 = vector.load %arg2[%get3A_9, %get3A_10] : memref<32x10000xf32, #tpu.memory_space<vmem>>, vector<32x10000xf32>
    %reduce_sum3A = arith.constant dense<0.000000e+00> : vector<10000xf32>
    %reduce_sum3A_12 = vector.multi_reduction <add>, %get3A_11, %reduce_sum3A [0] : vector<32x10000xf32> to vector<10000xf32>
    %max3A = arith.constant 1.000000e+00 : f32
    %max3A_13 = vector.broadcast %max3A : f32 to vector<10000xf32>
    %max3A_14 = arith.maximumf %reduce_sum3A_12, %max3A_13 : vector<10000xf32>
    %broadcast_in_dim3A = vector.shape_cast %max3A_14 : vector<10000xf32> to vector<10000x1xf32>
    %div3A = vector.broadcast %broadcast_in_dim3A : vector<10000x1xf32> to vector<10000x128xf32>
    %div3A_15 = arith.divf %add3A, %div3A : vector<10000x128xf32>
    %get3A_16 = arith.constant 0 : index
    %get3A_17 = arith.constant 0 : index
    %get3A_18 = vector.load %arg0[%get3A_16, %get3A_17] : memref<10000x128xf32, #tpu.memory_space<vmem>>, vector<10000x128xf32>
    %get3A_19 = arith.constant 0 : index
    %get3A_20 = arith.constant 0 : index
    %get3A_21 = vector.load %arg3[%get3A_19, %get3A_20] : memref<256x128xf32, #tpu.memory_space<vmem>>, vector<128x128xf32>
    %dot_general3A = arith.constant dense<0.000000e+00> : vector<10000x128xf32>
    %dot_general3A_22 = tpu.matmul %get3A_18, %get3A_21, %dot_general3A {dimension_numbers = #tpu.dot_dimension_numbers<[1], [0], [0], [1], [0, 0, 1, 1], [], []>, precision = #tpu.contract_precision<fp32>, transpose_lhs_hint = false} : vector<10000x128xf32>, vector<128x128xf32>, vector<10000x128xf32> -> vector<10000x128xf32>
    %get3A_23 = arith.constant 128 : index
    %get3A_24 = arith.constant 0 : index
    %get3A_25 = vector.load %arg3[%get3A_23, %get3A_24] : memref<256x128xf32, #tpu.memory_space<vmem>>, vector<128x128xf32>
    %dot_general3A_26 = arith.constant dense<0.000000e+00> : vector<10000x128xf32>
    %dot_general3A_27 = tpu.matmul %div3A_15, %get3A_25, %dot_general3A_26 {dimension_numbers = #tpu.dot_dimension_numbers<[1], [0], [0], [1], [0, 0, 1, 1], [], []>, precision = #tpu.contract_precision<fp32>, transpose_lhs_hint = false} : vector<10000x128xf32>, vector<128x128xf32>, vector<10000x128xf32> -> vector<10000x128xf32>
    %add3A_28 = arith.addf %dot_general3A_22, %dot_general3A_27 : vector<10000x128xf32>
    %get3A_29 = arith.constant 0 : index
    %get3A_30 = arith.constant 0 : index
    %get3A_31 = vector.load %arg4[%get3A_29, %get3A_30] : memref<1x128xf32, #tpu.memory_space<vmem>>, vector<1x128xf32>
    %add3A_32 = vector.broadcast %get3A_31 : vector<1x128xf32> to vector<10000x128xf32>
    %add3A_33 = arith.addf %add3A_28, %add3A_32 : vector<10000x128xf32>
    %get3A_34 = arith.constant 0 : index
    %get3A_35 = arith.constant 0 : index
    %get3A_36 = vector.load %arg5[%get3A_34, %get3A_35] : memref<128x128xf32, #tpu.memory_space<vmem>>, vector<128x128xf32>
    %dot_general3A_37 = arith.constant dense<0.000000e+00> : vector<10000x128xf32>
    %dot_general3A_38 = tpu.matmul %add3A_33, %get3A_36, %dot_general3A_37 {dimension_numbers = #tpu.dot_dimension_numbers<[1], [0], [0], [1], [0, 0, 1, 1], [], []>, precision = #tpu.contract_precision<fp32>, transpose_lhs_hint = false} : vector<10000x128xf32>, vector<128x128xf32>, vector<10000x128xf32> -> vector<10000x128xf32>
    %get3A_39 = arith.constant 0 : index
    %get3A_40 = arith.constant 0 : index
    %get3A_41 = vector.load %arg6[%get3A_39, %get3A_40] : memref<1x128xf32, #tpu.memory_space<vmem>>, vector<1x128xf32>
    %add3A_42 = vector.broadcast %get3A_41 : vector<1x128xf32> to vector<10000x128xf32>
    %add3A_43 = arith.addf %dot_general3A_38, %add3A_42 : vector<10000x128xf32>
    %max3A_44 = arith.constant 0.000000e+00 : f32
    %max3A_45 = vector.broadcast %max3A_44 : f32 to vector<10000x128xf32>
    %max3A_46 = arith.maximumf %add3A_43, %max3A_45 : vector<10000x128xf32>
    %swap3A = arith.constant 0 : index
    %swap3A_47 = arith.constant 0 : index
    %swap3A_48 = vector.load %arg7[%swap3A, %swap3A_47] : memref<10000x128xf32, #tpu.memory_space<vmem>>, vector<10000x128xf32>
    tpu.vector_store %arg7[%swap3A, %swap3A_47], %max3A_46 {strides = array<i32>} : memref<10000x128xf32, #tpu.memory_space<vmem>>, vector<10000x128xf32>,
    return
  }
}

</mosaic_0001>

<sc_bundles>
// kernel: kernel.4.cloned.1.call-start
scs
__scs_entry_jumppad:
0x0: {  	(pc) =	sbr.rel $0x88, $3  }
0x1: {  	(tag) =	ssettag $0x0;
	lr =	simm.s32 $0x1  }
0x2: {  	[smem:$0x3F9B] =	sst lr;
	_ =	strace $0xD0000000  }
0x3: {  	_ = 	snop  }
0x4: {  	_ = 	snop  }
0x5: {  	_ = 	snop  }
0x6: {  	_ = 	snop  }
0x7: {  	_ = 	snop  }
__scs_overlays_trampoline_lowered:
0x8: {  	[smem:$0x3FAA] =	sst s0  }
0x9: {  	[smem:$0x3FAB] =	sst s1  }
0xa: {  	[smem:$0x3FAC] =	sst s2  }
0xb: {  	[smem:$0x3FAD] =	sst s3  }
0xc: {  	[smem:$0x3FAE] =	sst s4  }
0xd: {  	[smem:$0x3FAF] =	sst s5  }
0xe: {  	[smem:$0x3FB0] =	sst s6  }
0xf: {  	[smem:$0x3FB1] =	sst s7  }
0x10: {  	[smem:$0x3FB2] =	sst s8  }
0x11: {  	[smem:$0x3FB3] =	sst s9;
	s0 =	simm.s32 @!p0 $0x0  }
0x12: {  	s1 =	sld [smem:$0x3F99];
	s0 =	simm.s32 @p0 $0x1  }
0x13: {  	[smem:$0x3FB4] =	sst s0;
	s0 =	simm.s32 @!p1 $0x0  }
0x14: {  	s2 =	sld [smem:$0x3F98];
	s0 =	simm.s32 @p1 $0x1  }
0x15: {  	[smem:$0x3FB5] =	sst s0;
	s0 =	simm.s32 @!p2 $0x0  }
0x16: {  	s3 =	sld [smem:$0x3FDB];
	s0 =	simm.s32 @p2 $0x1  }
0x17: {  	s4 =	simm.s32 $0x1BF5;
	[smem:$0x3FB7] =	sst s0  }
0x18: {  	s0 =	sld [smem:$0x3F9A];
	_ =	swait.ge [sflag:s4], $0x0  }
0x19: {  	s7 =	sld [smem:$0x3F9B]  }
0x1a: {  	s8 =	sadd.s32 $0xFFFFE003, lr  }
0x1b: {  	s9 =	sadd.s32 $0xFFFFFEF7, lr;
	s5 =	simm.s32 $0xFFFFFFFF;
	p2 =	slt.u32 s8, $0xFFFFF086  }
0x1c: {  	p1 =	slt.u32 s9, $0xF7A;
	s5 =	simm.s32 @!p2 $0x0  }
0x1d: {  	s5 =	simm.s32 @p1 $0x1;
	p0 =	seq.s32 s7, s2  }
0x1e: {  	s7 =	smul.u32 @!p0 $0xF7A, s2;
	p2 =	seq.s32 @!p0 s5, $0x0  }
0x1f: {  	s9 =	smul.u32 $0xF7A, s1;
	s8 =	simm.s32 @!p0 $0x1BF5;
	p2 =	por !p2, p0  }
0x20: {  	[sflag:s8] =	ssyncset.s32 @!p0 $0xFFFFF086;
	s6 =	sadd.s32 @!p0 s3, s7;
	s7 =	simm.s32 @!p0 $0x108  }
0x21: {  	s3 =	sadd.s32 s3, s9;
	s6 =	sadd.s32 @!p0 $0x88, s6;
	s7 =	simm.s32 @p2 $0x1082  }
0x22: {  	[simem:s7], [sflag:s8] =	dma.local @!p0 [hbm:s6], $0xF7A  }
0x23: {  	s9 =	sor.u32 $0xD0000000, s2;
	s6 =	simm.s32 $0x108;
	_ =	swait.ge @!p0 [sflag:s8], $0x0  }
0x24: {  	s3 =	sadd.s32 $0x88, s3;
	s6 =	simm.s32 @!p1 $0x1082;
	[sflag:s4] =	ssyncset.s32 $0xFFFFF086  }
0x25: {  	[simem:s6], [sflag:s4] =	dma.local [hbm:s3], $0xF7A  }
0x26: {  	[smem:$0x3F9B] =	sst s1;
	(tag) =	ssettag s2;
	_ =	strace s9  }
0x27: {  	s1 =	sld [smem:$0x3FAB]  }
0x28: {  	s2 =	sld [smem:$0x3FAC]  }
0x29: {  	s4 =	sld [smem:$0x3FAE]  }
0x2a: {  	p0 =	seq.s32 s5, $0x0;
	s5 =	sld [smem:$0x3FAF]  }
0x2b: {  	s6 =	sld [smem:$0x3FB0]  }
0x2c: {  	s7 =	sld [smem:$0x3FB1]  }
0x2d: {  	s3 =	simm.s32 $0x108;
	s8 =	sld [smem:$0x3FB2]  }
0x2e: {  	s3 =	simm.s32 @!p0 $0x1082;
	s9 =	sld [smem:$0x3FB3]  }
0x2f: {  	lr =	sadd.s32 s0, s3;
	s0 =	sld [smem:$0x3FAA]  }
0x30: {  	s3 =	sld [smem:$0x3FAD]  }
0x31: {  	[smem:$0x3FB6] =	sst s10  }
0x32: {  	s10 =	sld [smem:$0x3FB4];
	_ =	sdelay $0x3  }
0x33: {  	p0 =	seq.s32 s10, $0x1;
	s10 =	sld [smem:$0x3FB6];
	_ =	sdelay $0x3  }
0x34: {  	[smem:$0x3FB6] =	sst s10  }
0x35: {  	s10 =	sld [smem:$0x3FB5];
	_ =	sdelay $0x3  }
0x36: {  	p1 =	seq.s32 s10, $0x1;
	s10 =	sld [smem:$0x3FB6];
	_ =	sdelay $0x3  }
0x37: {  	[smem:$0x3FB6] =	sst s10  }
0x38: {  	s10 =	sld [smem:$0x3FB7]  }
0x39: {  	_ = 	snop;
	(pc) =	sbr.ind lr, $3  }
0x3a: {  	_ = 	snop  }
0x3b: {  	_ = 	snop  }
0x3c: {  	p2 =	seq.s32 s10, $0x1;
	s10 =	sld [smem:$0x3FB6]  }
0x3d: {  	_ =	shalt  }
0x3e: {  	_ =	shalt  }
0x3f: {  	_ =	shalt  }
0x40: {  	_ =	shalt  }
0x41: {  	_ =	shalt  }
0x42: {  	_ =	shalt  }
0x43: {  	_ =	shalt  }
0x44: {  	_ =	shalt  }
0x45: {  	_ =	shalt  }
0x46: {  	_ =	shalt  }
0x47: {  	_ =	shalt  }
0x48: {  	_ =	shalt  }
0x49: {  	_ =	shalt  }
0x4a: {  	_ =	shalt  }
0x4b: {  	_ =	shalt  }
0x4c: {  	_ =	shalt  }
0x4d: {  	_ =	shalt  }
0x4e: {  	_ =	shalt  }
0x4f: {  	_ =	shalt  }
0x50: {  	_ =	shalt  }
0x51: {  	_ =	shalt  }
0x52: {  	_ =	shalt  }
0x53: {  	_ =	shalt  }
0x54: {  	_ =	shalt  }
0x55: {  	_ =	shalt  }
0x56: {  	_ =	shalt  }
0x57: {  	_ =	shalt  }
0x58: {  	_ =	shalt  }
0x59: {  	_ =	shalt  }
0x5a: {  	_ =	shalt  }
0x5b: {  	_ =	shalt  }
0x5c: {  	_ =	shalt  }
0x5d: {  	_ =	shalt  }
0x5e: {  	_ =	shalt  }
0x5f: {  	_ =	shalt  }
0x60: {  	_ =	shalt  }
0x61: {  	_ =	shalt  }
0x62: {  	_ =	shalt  }
0x63: {  	_ =	shalt  }
0x64: {  	_ =	shalt  }
0x65: {  	_ =	shalt  }
0x66: {  	_ =	shalt  }
0x67: {  	_ =	shalt  }
0x68: {  	_ =	shalt  }
0x69: {  	_ =	shalt  }
0x6a: {  	_ =	shalt  }
0x6b: {  	_ =	shalt  }
0x6c: {  	_ =	shalt  }
0x6d: {  	_ =	shalt  }
0x6e: {  	_ =	shalt  }
0x6f: {  	_ =	shalt  }
0x70: {  	_ =	shalt  }
0x71: {  	_ =	shalt  }
0x72: {  	_ =	shalt  }
0x73: {  	_ =	shalt  }
0x74: {  	_ =	shalt  }
0x75: {  	_ =	shalt  }
0x76: {  	_ =	shalt  }
0x77: {  	_ =	shalt  }
0x78: {  	_ =	shalt  }
0x79: {  	_ =	shalt  }
0x7a: {  	_ =	shalt  }
0x7b: {  	_ =	shalt  }
0x7c: {  	_ =	shalt  }
0x7d: {  	_ =	shalt  }
0x7e: {  	_ =	shalt  }
0x7f: {  	_ =	shalt  }
0x80: {  	_ =	shalt  }
0x81: {  	_ =	shalt  }
0x82: {  	_ =	shalt  }
0x83: {  	_ =	shalt  }
0x84: {  	_ =	shalt  }
0x85: {  	_ =	shalt  }
0x86: {  	_ =	shalt  }
0x87: {  	_ =	shalt  }
.Lfunc_end0:
.L_simem_size_0:
called_computation_lowered:
.L_overlay_start_0:
0x88: {  	s2 =	sld [smem:$0x3FD9]  }
0x89: {  	s3 =	sld [smem:$0x3FFE];
	_ =	sdelay $0x1  }
0x8a: {  	s1 =	srdreg.scid  }
0x8b: {  	s0 =	sand.u32 $0x1, s1  }
0x8c: {  	s17 =	sshll.u32 s0, $0xA;
	s2 =	sadd.s32 s3, s2  }
0x8d: {  	s2 =	sadd.s32 s2, s17  }
0x8e: {  	[smem:$0x3FC2] =	sst s2  }
0x8f: {  	_ = 	snop  }
0x90: {  	s2 =	sld [smem:$0x3FC9]  }
0x91: {  	s18 =	sld [smem:$0x3FD0];
	(tm) =	ssettm $0x1  }
0x92: {  	s4 =	sld [smem:$0x3FFB];
	_ =	sdelay $0x3  }
0x93: {  	_ =	strace s4  }
0x94: {  	s4 =	sld [smem:$0x3FFC];
	_ =	sdelay $0x3  }
0x95: {  	_ =	strace s4  }
0x96: {  	s4 =	sld [smem:$0x3FFD];
	_ =	sdelay $0x3  }
0x97: {  	_ =	strace s4  }
0x98: {  	_ =	strace $0x8FFFFFFF  }
0x99: {  	s19 =	sld [smem:$0x3FDB];
	_ =	sdelay $0x1  }
0x9a: {  	s5 =	simm.s32 $_scs_section_size  }
0x9b: {  	s6 =	simm.s32 $_size__tile_overlayer_lowered;
	s7 =	simm.s32 $_tile_overlayer_lowered  }
0x9c: {  	s22 =	simm.s32 $0x1BFF;
	s21 =	sshll.u32 s7, $0x1;
	s4 =	sadd.s32 s5, s19  }
0x9d: {  	s8 =	simm.s32 $0x0;
	s20 =	sshll.u32 s6, $0x1;
	s6 =	sadd.s32 s21, s4  }
0x9e: {  	[timem:s8], [sflag:s22] =	dma.local [hbm:s6], s20  }
0x9f: {  	_ =	swait.ge [sflag:s22], s20  }
0xa0: {  	s5 =	ssub.s32 $0x0, s20;
	[sflag:s22] =	ssyncset.done $0x0  }
0xa1: {  	[sflag:s22] =	ssyncadd.s32 s5;
	_ =	sdelay $0x1  }
0xa2: {  	s23 =	simm.s32 $0x1B8B  }
0xa3: {  	_ =	swait.ge [sflag:s23], $0x1  }
0xa4: {  	[sflag:s23] =	ssyncset.done $0x0  }
0xa5: {  	s25 =	simm.s32 $0x1B8E;
	s24 =	sld [smem:$0x3FFE];
	[sflag:s23] =	ssyncadd.s32 $0xFFFFFFFF  }
0xa6: {  	s26 =	simm.s32 $execute0_lowered;
	[smem:$0x3FD2] =	sst s25  }
0xa7: {  	s6 =	sshll.u32 s26, $0x1;
	_ =	strace $0x80000046;
	[dreg:$0x1] =	wrdreg $0xFFFFFFFF  }
0xa8: {  	s28 =	simm.s32 $_size_execute0_lowered;
	s4 =	sadd.s32 s4, s6;
	[dreg:$0x0] =	wrdreg $0x0  }
0xa9: {  	s6 =	sshll.u32 s28, $0x1;
	[dreg:$0x2] =	wrdreg s4  }
0xaa: {  	[dreg:$0x3] =	wrdreg s6  }
0xab: {  	[dreg:$0x4] =	wrdreg $0xC0  }
0xac: {  	_ =	task [dreg:s8], $0x5FFFF  }
0xad: {  	[dreg:$0x1] =	wrdreg $0xFFFFFFFF  }
0xae: {  	[dreg:$0x0] =	wrdreg $0x60  }
0xaf: {  	[dreg:$0x2] =	wrdreg s2  }
0xb0: {  	[dreg:$0x3] =	wrdreg s24  }
0xb1: {  	[dreg:$0x4] =	wrdreg s18  }
0xb2: {  	[dreg:$0x5] =	wrdreg $0x64000  }
0xb3: {  	[dreg:$0x6] =	wrdreg $0x9  }
0xb4: {  	_ =	task.clear_ibuf [dreg:s8], $0x7FFFF;
	_ =	strace $0x90000046  }
0xb5: {  	s29 =	simm.s32 $0x9;
	_ =	strace $0x80000048  }
0xb6: {  	_ =	swait.ge [sflag:s29], $0x1  }
0xb7: {  	[sflag:s29] =	ssyncadd.s32 $0xFFFFFFFF  }
0xb8: {  	_ =	strace $0x90000048  }
0xb9: {  	_ =	sfence  }
0xba: {  	s30 =	sld [smem:$0x0];
	_ =	sdelay $0x2  }
0xbb: {  	s31 =	sshll.u32 s1, $0xD;
	s1 =	sshrl.u32 s1, $0x2  }
0xbc: {  	s3 =	sand.u32 $0x4000, s31;
	s1 =	sadd.s32 s1, s30  }
0xbd: {  	s0 =	sor.u32 s3, s0;
	s1 =	sshll.u32 s1, $0x11  }
0xbe: {  	s0 =	sor.u32 s1, s0  }
0xbf: {  	s0 =	sadd.s32 $0x8F2B, s0  }
0xc0: {  	[sflag:s0] =	ssyncadd.remote.s32 $0x1  }
0xc1: {  	_ =	sfence.sel $0xFFFF  }
0xc2: {  	[dreg:$0x0] =	wrdreg $0xFFFFFFFF;
	(pc) =	sbr.abs _section_cstart, $3  }
0xc3: {  	[dreg:$0x1] =	wrdreg $0xFFFFFFFF  }
0xc4: {  	_ =	task.clear_ibuf [dreg:s8], $0x2FFFF;
	_ =	strace $0x9FFFFFFF  }
0xc5: {  	(tm) =	ssettm $0x7FFFFFFF  }
tec
execute0_lowered:
.L_overlay_start_1:
0x0: {  	(tag) =	ssettag $0x1  }
0x1: {  	s1 =	rddreg [dreg:$0x0]  }
0x2: {  	s0 =	rddreg [dreg:$0x1]  }
0x3: {  	s2 =	rddreg [dreg:$0x2];
	s4 =	srdreg.scid  }
0x4: {  	s3 =	rddreg [dreg:$0x3];
	s11 =	stileid.u32  }
0x5: {  	s12 =	simm.s32 $0x3800;
	s13 =	simm.s32 $0x3000;
	s14 =	simm.s32 $0x2  }
0x6: {  	s15 =	simm.s32 $0x3880;
	s16 =	simm.s32 $0x3900;
	s17 =	simm.s32 $0x3980  }
0x7: {  	s18 =	simm.s32 $0x3A00;
	s19 =	simm.s32 $0x400;
	s20 =	simm.s32 $0x50  }
0x8: {  	s21 =	simm.s32 $0x800;
	s28 =	simm.s32 $0x500;
	s29 =	simm.s32 $0x180  }
0x9: {  	s30 =	simm.s32 $0x580;
	s31 =	simm.s32 $0x200;
	s9 =	smul.u32 $0xC80, s11  }
0xa: {  	s5 =	sand.u32 $0x1, s4;
	s4 =	simm.s32 $0x0;
	s10 =	smul.u32 $0x13800, s11  }
0xb: {  	s6 =	sshll.u32 s5, $0x4;
	s7 =	smul.u32 $0xC800, s5;
	[smem:$0x7FF] =	sst s4  }
0xc: {  	s8 =	smul.u32 $0x138800, s5;
	s5 =	ssub.s32 $0x2, s5;
	s6 =	sor.u32 s11, s6  }
0xd: {  	_ =	strace $0x80000047;
	s22 =	sshrl.u32 s5, $0x1;
	s6 =	smul.u32 $0x4F0, s6  }
0xe: {  	s7 =	sadd.s32 s7, s0;
	s25 =	sadd.s32 s10, s8;
	s10 =	simm.s32 $0x80  }
0xf: {  	s24 =	sadd.s32 s9, s7;
	s26 =	sshrl.u32 s25, $0x3;
	s25 =	simm.s32 $0x480  }
0x10: {  	s7 =	simm.s32 $0x0;
	s0 =	sadd.s32 s6, s0;
	s6 =	ssub.s32 s5, s22  }
0x11: {  	s5 =	smul.u32 $0x270, s11;
	s8 =	sadd.s32 $0x19E00, s24;
	s0 =	sadd.s32 $0x32E00, s0  }
0x12: {  	s9 =	sadd.s32 $0xE00, s24;
	s23 =	smax.u32 s6, $0x1;
	[dreg:$0x5] =	wrdreg s0  }
0x13: {  	v0 =	vlaneseq.u32;
	s11 =	simm.s32 $0x10;
	s22 =	simm.s32 $0x1;
	[dreg:$0x6] =	wrdreg s23  }
0x14: {  	v1 =	vimm.f32 $0.0e+00;
	v6 =	vimm.f32 $1.000000000e+00;
	v2 =	vor.u32 $0x10, v0;
	s0 =	sadd.s32 s26, s2;
	s23 =	simm.s32 $0x3C80;
	s26 =	simm.s32 $0x100  }
0x15: {  	v3 =	vor.u32 $0x20, v0;
	v4 =	vor.u32 $0x30, v0;
	v5 =	vor.u32 $0x40, v0;
	s2 =	simm.s32 $0x3C00;
	[dreg:$0x7] =	wrdreg s0;
	s0 =	simm.s32 $0x600  }
.LBB2_1:
0x16: {  	[dreg:$0x8] =	wrdreg s7;
	s6 =	simm.s32 $0x0;
	s7 =	simm.s32 $0x200  }
.LBB2_2:
0x17: {  	p0 =	sne.s32 s7, $0x1E00;
	[tilespmem:s6+$0x3070] =	vst v1  }
0x18: {  	[tilespmem:s6+$0x3000] =	vst v1  }
0x19: {  	[tilespmem:s6+$0x3010] =	vst v1  }
.Ltmp0:
0x1a: {  	[tilespmem:s6+$0x3020] =	vst v1;
	(pc) =	sbr.rel @p0 .LBB2_2-.Ltmp0, $4  }
0x1b: {  	[tilespmem:s6+$0x3030] =	vst v1  }
0x1c: {  	[tilespmem:s6+$0x3040] =	vst v1  }
0x1d: {  	[tilespmem:s6+$0x3050] =	vst v1  }
0x1e: {  	[tilespmem:s6+$0x3060] =	vst v1;
	s6 =	sshra.s32 s7, $0x2;
	s7 =	sadd.s32 $0x200, s7  }
0x1f: {  	[tilespmem:s6+$0x3070] =	vst v1  }
0x20: {  	[tilespmem:s6+$0x3000] =	vst v1  }
0x21: {  	[tilespmem:s6+$0x3010] =	vst v1  }
0x22: {  	[tilespmem:s6+$0x3020] =	vst v1  }
0x23: {  	[tilespmem:s6+$0x3030] =	vst v1  }
0x24: {  	[tilespmem:s6+$0x3040] =	vst v1  }
0x25: {  	[tilespmem:s6+$0x3050] =	vst v1  }
0x26: {  	[tilespmem:s6+$0x3060] =	vst v1;
	s6 =	simm.s32 $0x40;
	s7 =	simm.s32 $0x0  }
.LBB2_4:
0x27: {  	p0 =	sne.s32 s6, $0x9C00;
	[tilespmem:s7+$0x3C80] =	vst v1;
	s7 =	smov.u32 s6;
	s6 =	sadd.s32 $0x40, s6  }
.Ltmp1:
0x28: {  	(pc) =	sbr.rel @p0 .LBB2_4-.Ltmp1, $2  }
0x29: {  	_ =	sdelay $0x2  }
0x2a: {  	s7 =	sshra.s32 s7, $0x2  }
0x2b: {  	s6 =	sadd.s32 $0x0, s5  }
0x2c: {  	[tilespmem:s7+$0x3C80] =	vst v1;
	v7 =	vadd.s32 s6, v5  }
0x2d: {  	v8 =	vor.u32 s6, v0;
	[tilespmem:$0x3A00] =	vst v7  }
0x2e: {  	v7 =	vadd.s32 s6, v2;
	[tilespmem:$0x3800] =	vst v8  }
0x2f: {  	v8 =	vadd.s32 s6, v3;
	[tilespmem:$0x3880] =	vst v7  }
0x30: {  	v7 =	vadd.s32 s6, v4;
	[tilespmem:$0x3900] =	vst v8  }
0x31: {  	[tilespmem:$0x3980] =	vst v7  }
0x32: {  	[spmem:s3] =	stream.indirect.scatter [tilespmem:s13], [sflag:$0x2], $0x80, s12, s11, $0xb8;
	[tilespmem:$0x19C80] =	vst v63  }
0x33: {  	_ =	swait.ge [sflag:s14], $0x800  }
0x34: {  	[sflag:s14] =	ssyncset.done $0x0  }
0x35: {  	[sflag:s14] =	ssyncadd.s32 $0xFFFFF800  }
0x36: {  	[spmem:s3] =	stream.indirect.scatter [tilespmem:s13], [sflag:$0x2], $0x80, s15, s11, $0xb8;
	[tilespmem:$0x19C80] =	vst v63  }
0x37: {  	_ =	swait.ge [sflag:s14], $0x800  }
0x38: {  	[sflag:s14] =	ssyncset.done $0x0  }
0x39: {  	[sflag:s14] =	ssyncadd.s32 $0xFFFFF800  }
0x3a: {  	[spmem:s3] =	stream.indirect.scatter [tilespmem:s13], [sflag:$0x2], $0x80, s16, s11, $0xb8;
	[tilespmem:$0x19C80] =	vst v63  }
0x3b: {  	_ =	swait.ge [sflag:s14], $0x800  }
0x3c: {  	[sflag:s14] =	ssyncset.done $0x0  }
0x3d: {  	[sflag:s14] =	ssyncadd.s32 $0xFFFFF800  }
0x3e: {  	[spmem:s3] =	stream.indirect.scatter [tilespmem:s13], [sflag:$0x2], $0x80, s17, s11, $0xb8;
	[tilespmem:$0x19C80] =	vst v63  }
0x3f: {  	_ =	swait.ge [sflag:s14], $0x800  }
0x40: {  	s7 =	simm.s32 $0x50;
	[sflag:s14] =	ssyncset.done $0x0  }
.LBB2_6:
0x41: {  	p0 =	sne.s32 s7, $0x230  }
0x42: {  	[sflag:s14] =	ssyncadd.s32 $0xFFFFF800;
	s6 =	smov.u32 s7;
	s7 =	sadd.s32 $0x50, s7  }
0x43: {  	[spmem:s3] =	stream.indirect.scatter [tilespmem:s13], [sflag:$0x2], $0x80, s18, s11, $0xb8;
	[tilespmem:$0x19C80] =	vst v63  }
0x44: {  	_ =	swait.ge [sflag:s14], $0x800  }
0x45: {  	s6 =	sadd.s32 s6, s5;
	[sflag:s14] =	ssyncset.done $0x0  }
0x46: {  	v7 =	vor.u32 s6, v0;
	v8 =	vadd.s32 s6, v2;
	v9 =	vadd.s32 s6, v5;
	[sflag:s14] =	ssyncadd.s32 $0xFFFFF800  }
0x47: {  	v10 =	vadd.s32 s6, v3;
	v11 =	vadd.s32 s6, v4;
	[tilespmem:$0x3A00] =	vst v9  }
0x48: {  	[tilespmem:$0x3800] =	vst v7  }
0x49: {  	[tilespmem:$0x3880] =	vst v8  }
0x4a: {  	[tilespmem:$0x3900] =	vst v10  }
0x4b: {  	[tilespmem:$0x3980] =	vst v11  }
0x4c: {  	[spmem:s3] =	stream.indirect.scatter [tilespmem:s13], [sflag:$0x2], $0x80, s12, s11, $0xb8;
	[tilespmem:$0x19C80] =	vst v63  }
0x4d: {  	_ =	swait.ge [sflag:s14], $0x800  }
0x4e: {  	[sflag:s14] =	ssyncset.done $0x0  }
0x4f: {  	[sflag:s14] =	ssyncadd.s32 $0xFFFFF800  }
0x50: {  	[spmem:s3] =	stream.indirect.scatter [tilespmem:s13], [sflag:$0x2], $0x80, s15, s11, $0xb8;
	[tilespmem:$0x19C80] =	vst v63  }
0x51: {  	_ =	swait.ge [sflag:s14], $0x800  }
0x52: {  	[sflag:s14] =	ssyncset.done $0x0  }
0x53: {  	[sflag:s14] =	ssyncadd.s32 $0xFFFFF800  }
0x54: {  	[spmem:s3] =	stream.indirect.scatter [tilespmem:s13], [sflag:$0x2], $0x80, s16, s11, $0xb8;
	[tilespmem:$0x19C80] =	vst v63  }
0x55: {  	_ =	swait.ge [sflag:s14], $0x800  }
.Ltmp2:
0x56: {  	[sflag:s14] =	ssyncset.done $0x0;
	(pc) =	sbr.rel @p0 .LBB2_6-.Ltmp2, $4  }
0x57: {  	[sflag:s14] =	ssyncadd.s32 $0xFFFFF800  }
0x58: {  	[spmem:s3] =	stream.indirect.scatter [tilespmem:s13], [sflag:$0x2], $0x80, s17, s11, $0xb8;
	[tilespmem:$0x19C80] =	vst v63  }
0x59: {  	_ =	swait.ge [sflag:s14], $0x800  }
0x5a: {  	[sflag:s14] =	ssyncset.done $0x0  }
0x5b: {  	[sflag:s14] =	ssyncadd.s32 $0xFFFFF800  }
0x5c: {  	[spmem:s3] =	stream.indirect.scatter [tilespmem:s13], [sflag:$0x2], $0x80, s18, s11, $0xb8;
	[tilespmem:$0x19C80] =	vst v63  }
0x5d: {  	_ =	swait.ge [sflag:s14], $0x800  }
0x5e: {  	[sflag:s14] =	ssyncset.done $0x0  }
0x5f: {  	[sflag:s14] =	ssyncadd.s32 $0xFFFFF800  }
0x60: {  	s7 =	simm.s32 $0x0;
	[bflag:$0x0] =	sbarrier.arrive $0xFFFF  }
.LBB2_8:
0x61: {  	s6 =	sadd.s32 s7, s9  }
0x62: {  	[tilespmem:s4], [sflag:$0x2] =	stream.linear.gather [hbm4b:s6+s4], $0x280, $0x38;
	[tilespmem:$0x19C80] =	vst v63  }
0x63: {  	_ =	swait.ge [sflag:s14], $0x280  }
0x64: {  	[sflag:s14] =	ssyncset.done $0x0  }
0x65: {  	s24 =	sadd.s32 s7, s8;
	[sflag:s14] =	ssyncadd.s32 $0xFFFFFD80  }
0x66: {  	[tilespmem:s19], [sflag:$0x2] =	stream.linear.gather [hbm4b:s24+s4], $0x280, $0x38;
	[tilespmem:$0x19C80] =	vst v63  }
0x67: {  	_ =	swait.ge [sflag:s14], $0x280  }
0x68: {  	[sflag:s14] =	ssyncset.done $0x0  }
0x69: {  	[sflag:s14] =	ssyncadd.s32 $0xFFFFFD80  }
0x6a: {  	[tilespmem:s21], [sflag:$0x1] =	stream.indirect.gather [hbm4b:s1+s20], $0x80, s4, s20, $0xb8;
	[tilespmem:$0x19C80] =	vst v63  }
0x6b: {  	_ =	swait.ge [sflag:s22], $0x2800  }
0x6c: {  	[sflag:s22] =	ssyncset.done $0x0  }
0x6d: {  	[sflag:s22] =	ssyncadd.s32 $0xFFFFD800  }
0x6e: {  	[spmem:s3] =	stream.indirect.scatter.add.f32 [tilespmem:s21], [sflag:$0x2], $0x80, s19, s20, $0xb8;
	[tilespmem:$0x19C80] =	vst v63  }
0x6f: {  	_ =	swait.ge [sflag:s14], $0x2800  }
0x70: {  	[sflag:s14] =	ssyncset.done $0x0  }
0x71: {  	[sflag:s14] =	ssyncadd.s32 $0xFFFFD800  }
0x72: {  	v7 =	vld [tilespmem:$0x400];
	_ =	sdelay $0x7  }
0x73: {  	[tilespmem:v7+s23+$0x0] =	vst.idx.add.f32.msk $0xffff, v6  }
0x74: {  	v7 =	vld [tilespmem:$0x410];
	_ =	sdelay $0x7  }
0x75: {  	[tilespmem:v7+s23+$0x0] =	vst.idx.add.f32.msk $0xffff, v6  }
0x76: {  	v7 =	vld [tilespmem:$0x420];
	_ =	sdelay $0x7  }
0x77: {  	[tilespmem:v7+s23+$0x0] =	vst.idx.add.f32.msk $0xffff, v6  }
0x78: {  	v7 =	vld [tilespmem:$0x430];
	_ =	sdelay $0x7  }
0x79: {  	[tilespmem:v7+s23+$0x0] =	vst.idx.add.f32.msk $0xffff, v6  }
0x7a: {  	v7 =	vld [tilespmem:$0x440];
	_ =	sdelay $0x7  }
0x7b: {  	[tilespmem:v7+s23+$0x0] =	vst.idx.add.f32.msk $0xffff, v6  }
0x7c: {  	[tilespmem:s21], [sflag:$0x1] =	stream.indirect.gather [hbm4b:s1+s20], $0x80, s10, s20, $0xb8;
	[tilespmem:$0x19C80] =	vst v63  }
0x7d: {  	_ =	swait.ge [sflag:s22], $0x2800  }
0x7e: {  	[sflag:s22] =	ssyncset.done $0x0  }
0x7f: {  	[sflag:s22] =	ssyncadd.s32 $0xFFFFD800  }
0x80: {  	[spmem:s3] =	stream.indirect.scatter.add.f32 [tilespmem:s21], [sflag:$0x2], $0x80, s25, s20, $0xb8;
	[tilespmem:$0x19C80] =	vst v63  }
0x81: {  	_ =	swait.ge [sflag:s14], $0x2800  }
0x82: {  	[sflag:s14] =	ssyncset.done $0x0  }
0x83: {  	[sflag:s14] =	ssyncadd.s32 $0xFFFFD800  }
0x84: {  	v7 =	vld [tilespmem:$0x480];
	_ =	sdelay $0x7  }
0x85: {  	[tilespmem:v7+s23+$0x0] =	vst.idx.add.f32.msk $0xffff, v6  }
0x86: {  	v7 =	vld [tilespmem:$0x490];
	_ =	sdelay $0x7  }
0x87: {  	[tilespmem:v7+s23+$0x0] =	vst.idx.add.f32.msk $0xffff, v6  }
0x88: {  	v7 =	vld [tilespmem:$0x4A0];
	_ =	sdelay $0x7  }
0x89: {  	[tilespmem:v7+s23+$0x0] =	vst.idx.add.f32.msk $0xffff, v6  }
0x8a: {  	v7 =	vld [tilespmem:$0x4B0];
	_ =	sdelay $0x7  }
0x8b: {  	[tilespmem:v7+s23+$0x0] =	vst.idx.add.f32.msk $0xffff, v6  }
0x8c: {  	v7 =	vld [tilespmem:$0x4C0];
	_ =	sdelay $0x7  }
0x8d: {  	[tilespmem:v7+s23+$0x0] =	vst.idx.add.f32.msk $0xffff, v6  }
0x8e: {  	[tilespmem:s21], [sflag:$0x1] =	stream.indirect.gather [hbm4b:s1+s20], $0x80, s26, s20, $0xb8;
	[tilespmem:$0x19C80] =	vst v63  }
0x8f: {  	_ =	swait.ge [sflag:s22], $0x2800  }
0x90: {  	[sflag:s22] =	ssyncset.done $0x0  }
0x91: {  	[sflag:s22] =	ssyncadd.s32 $0xFFFFD800  }
0x92: {  	[spmem:s3] =	stream.indirect.scatter.add.f32 [tilespmem:s21], [sflag:$0x2], $0x80, s28, s20, $0xb8;
	[tilespmem:$0x19C80] =	vst v63  }
0x93: {  	_ =	swait.ge [sflag:s14], $0x2800  }
0x94: {  	[sflag:s14] =	ssyncset.done $0x0  }
0x95: {  	[sflag:s14] =	ssyncadd.s32 $0xFFFFD800  }
0x96: {  	v7 =	vld [tilespmem:$0x500];
	_ =	sdelay $0x7  }
0x97: {  	[tilespmem:v7+s23+$0x0] =	vst.idx.add.f32.msk $0xffff, v6  }
0x98: {  	v7 =	vld [tilespmem:$0x510];
	_ =	sdelay $0x7  }
0x99: {  	[tilespmem:v7+s23+$0x0] =	vst.idx.add.f32.msk $0xffff, v6  }
0x9a: {  	v7 =	vld [tilespmem:$0x520];
	_ =	sdelay $0x7  }
0x9b: {  	[tilespmem:v7+s23+$0x0] =	vst.idx.add.f32.msk $0xffff, v6  }
0x9c: {  	v7 =	vld [tilespmem:$0x530];
	_ =	sdelay $0x7  }
0x9d: {  	[tilespmem:v7+s23+$0x0] =	vst.idx.add.f32.msk $0xffff, v6  }
0x9e: {  	v7 =	vld [tilespmem:$0x540];
	_ =	sdelay $0x7  }
0x9f: {  	[tilespmem:v7+s23+$0x0] =	vst.idx.add.f32.msk $0xffff, v6  }
0xa0: {  	[tilespmem:s21], [sflag:$0x1] =	stream.indirect.gather [hbm4b:s1+s20], $0x80, s29, s20, $0xb8;
	[tilespmem:$0x19C80] =	vst v63  }
0xa1: {  	_ =	swait.ge [sflag:s22], $0x2800  }
0xa2: {  	[sflag:s22] =	ssyncset.done $0x0  }
0xa3: {  	[sflag:s22] =	ssyncadd.s32 $0xFFFFD800  }
0xa4: {  	[spmem:s3] =	stream.indirect.scatter.add.f32 [tilespmem:s21], [sflag:$0x2], $0x80, s30, s20, $0xb8;
	[tilespmem:$0x19C80] =	vst v63  }
0xa5: {  	_ =	swait.ge [sflag:s14], $0x2800  }
0xa6: {  	[sflag:s14] =	ssyncset.done $0x0  }
0xa7: {  	[sflag:s14] =	ssyncadd.s32 $0xFFFFD800  }
0xa8: {  	v7 =	vld [tilespmem:$0x580];
	_ =	sdelay $0x7  }
0xa9: {  	[tilespmem:v7+s23+$0x0] =	vst.idx.add.f32.msk $0xffff, v6  }
0xaa: {  	v7 =	vld [tilespmem:$0x590];
	_ =	sdelay $0x7  }
0xab: {  	[tilespmem:v7+s23+$0x0] =	vst.idx.add.f32.msk $0xffff, v6  }
0xac: {  	v7 =	vld [tilespmem:$0x5A0];
	_ =	sdelay $0x7  }
0xad: {  	[tilespmem:v7+s23+$0x0] =	vst.idx.add.f32.msk $0xffff, v6  }
0xae: {  	v7 =	vld [tilespmem:$0x5B0];
	_ =	sdelay $0x7  }
0xaf: {  	[tilespmem:v7+s23+$0x0] =	vst.idx.add.f32.msk $0xffff, v6  }
0xb0: {  	v7 =	vld [tilespmem:$0x5C0];
	_ =	sdelay $0x7  }
0xb1: {  	[tilespmem:v7+s23+$0x0] =	vst.idx.add.f32.msk $0xffff, v6  }
0xb2: {  	[tilespmem:s21], [sflag:$0x1] =	stream.indirect.gather [hbm4b:s1+s20], $0x80, s31, s20, $0xb8;
	[tilespmem:$0x19C80] =	vst v63  }
0xb3: {  	_ =	swait.ge [sflag:s22], $0x2800  }
0xb4: {  	[sflag:s22] =	ssyncset.done $0x0  }
0xb5: {  	[sflag:s22] =	ssyncadd.s32 $0xFFFFD800  }
0xb6: {  	[spmem:s3] =	stream.indirect.scatter.add.f32 [tilespmem:s21], [sflag:$0x2], $0x80, s0, s20, $0xb8;
	[tilespmem:$0x19C80] =	vst v63  }
0xb7: {  	_ =	swait.ge [sflag:s14], $0x2800  }
0xb8: {  	[sflag:s14] =	ssyncset.done $0x0  }
0xb9: {  	[sflag:s14] =	ssyncadd.s32 $0xFFFFD800  }
0xba: {  	v7 =	vld [tilespmem:$0x600];
	_ =	sdelay $0x7  }
0xbb: {  	[tilespmem:v7+s23+$0x0] =	vst.idx.add.f32.msk $0xffff, v6  }
0xbc: {  	v7 =	vld [tilespmem:$0x610];
	_ =	sdelay $0x7  }
0xbd: {  	[tilespmem:v7+s23+$0x0] =	vst.idx.add.f32.msk $0xffff, v6  }
0xbe: {  	v7 =	vld [tilespmem:$0x620];
	_ =	sdelay $0x7  }
0xbf: {  	[tilespmem:v7+s23+$0x0] =	vst.idx.add.f32.msk $0xffff, v6  }
0xc0: {  	v7 =	vld [tilespmem:$0x630];
	_ =	sdelay $0x7  }
0xc1: {  	[tilespmem:v7+s23+$0x0] =	vst.idx.add.f32.msk $0xffff, v6  }
0xc2: {  	v7 =	vld [tilespmem:$0x640];
	_ =	sdelay $0x2  }
0xc3: {  	p0 =	sne.s32 s7, $0xC00  }
.Ltmp3:
0xc4: {  	_ = 	snop;
	(pc) =	sbr.rel @p0 .LBB2_8-.Ltmp3, $2  }
0xc5: {  	_ =	sdelay $0x2  }
0xc6: {  	s7 =	sadd.s32 $0x80, s7;
	[tilespmem:v7+s23+$0x0] =	vst.idx.add.f32.msk $0xffff, v6  }
0xc7: {  	s6 =	sadd.s32 $0x0, s5  }
0xc8: {  	[bflag:$0x0] =	sbarrier.arrive $0xFFFF;
	v7 =	vadd.s32 s6, v5  }
0xc9: {  	v8 =	vor.u32 s6, v0;
	[tilespmem:$0x3C40] =	vst v7  }
0xca: {  	v7 =	vadd.s32 s6, v2;
	[tilespmem:$0x3C00] =	vst v8  }
0xcb: {  	v8 =	vadd.s32 s6, v3;
	[tilespmem:$0x3C10] =	vst v7  }
0xcc: {  	v7 =	vadd.s32 s6, v4;
	[tilespmem:$0x3C20] =	vst v8  }
0xcd: {  	[tilespmem:$0x3C30] =	vst v7  }
0xce: {  	[tilespmem:s21], [sflag:$0x2] =	stream.indirect.gather [spmem:s3], $0x80, s2, s20, $0xb8;
	[tilespmem:$0x19C80] =	vst v63  }
0xcf: {  	_ =	swait.ge [sflag:s14], $0x2800  }
0xd0: {  	s6 =	rddreg [dreg:$0x7]  }
0xd1: {  	s7 =	simm.s32 $0x50;
	[sflag:s14] =	ssyncset.done $0x0;
	s10 =	smov.u32 s6  }
.LBB2_10:
0xd2: {  	p0 =	sne.s32 s7, $0x230  }
0xd3: {  	[sflag:s14] =	ssyncadd.s32 $0xFFFFD800;
	s10 =	sadd.s32 $0x500, s10;
	s24 =	smov.u32 s7  }
0xd4: {  	[hbm4b:s6+s4] =	stream.linear.scatter [tilespmem:s21], [sflag:$0x2], $0x2800, $0x38;
	[tilespmem:$0x19C80] =	vst v63  }
0xd5: {  	s7 =	sadd.s32 $0x50, s7;
	s6 =	smov.u32 s10;
	_ =	swait.ge [sflag:s14], $0x2800  }
0xd6: {  	s24 =	sadd.s32 s24, s5;
	[sflag:s14] =	ssyncset.done $0x0  }
0xd7: {  	v7 =	vor.u32 s24, v0;
	v8 =	vadd.s32 s24, v2;
	v9 =	vadd.s32 s24, v5;
	[sflag:s14] =	ssyncadd.s32 $0xFFFFD800  }
0xd8: {  	v10 =	vadd.s32 s24, v3;
	v11 =	vadd.s32 s24, v4;
	[tilespmem:$0x3C40] =	vst v9  }
0xd9: {  	[tilespmem:$0x3C00] =	vst v7  }
0xda: {  	[tilespmem:$0x3C10] =	vst v8  }
.Ltmp4:
0xdb: {  	[tilespmem:$0x3C20] =	vst v10;
	(pc) =	sbr.rel @p0 .LBB2_10-.Ltmp4, $4  }
0xdc: {  	[tilespmem:$0x3C30] =	vst v11  }
0xdd: {  	[tilespmem:s21], [sflag:$0x2] =	stream.indirect.gather [spmem:s3], $0x80, s2, s20, $0xb8;
	[tilespmem:$0x19C80] =	vst v63  }
0xde: {  	_ =	swait.ge [sflag:s14], $0x2800  }
0xdf: {  	[sflag:s14] =	ssyncset.done $0x0  }
0xe0: {  	[sflag:s14] =	ssyncadd.s32 $0xFFFFD800  }
0xe1: {  	[hbm4b:s6+s4] =	stream.linear.scatter [tilespmem:s21], [sflag:$0x2], $0x2800, $0x38;
	[tilespmem:$0x19C80] =	vst v63  }
0xe2: {  	_ =	swait.ge [sflag:s14], $0x2800  }
0xe3: {  	[sflag:s14] =	ssyncset.done $0x0  }
0xe4: {  	s10 =	rddreg [dreg:$0x5];
	[sflag:s14] =	ssyncadd.s32 $0xFFFFD800  }
0xe5: {  	[hbm4b:s10+s4] =	stream.linear.scatter [tilespmem:s23], [sflag:$0x2], $0x2780, $0x38;
	[tilespmem:$0x19C80] =	vst v63  }
0xe6: {  	_ =	swait.ge [sflag:s14], $0x2780  }
0xe7: {  	s7 =	rddreg [dreg:$0x8]  }
0xe8: {  	s24 =	rddreg [dreg:$0x6];
	s7 =	sadd.s32 $0x1, s7  }
0xe9: {  	p0 =	sne.s32 s7, s24  }
.Ltmp5:
0xea: {  	_ = 	snop;
	(pc) =	sbr.rel @p0 .LBB2_1-.Ltmp5, $3  }
0xeb: {  	_ =	sdelay $0x1  }
0xec: {  	[sflag:s14] =	ssyncset.done $0x0  }
0xed: {  	s10 =	simm.s32 $0x80;
	[sflag:s14] =	ssyncadd.s32 $0xFFFFD880  }
0xee: {  	_ =	sfence.sel $0x180000  }
0xef: {  	[bflag:$0x0] =	sbarrier.arrive $0xFFFF  }
0xf0: {  	_ =	strace $0x90000047  }
0xf1: {  	s0 =	stileid.u32;
	[bflag:$0x2] =	sbarrier.arrive $0xFFFF  }
0xf2: {  	p0 =	sne.s32 s0, $0x0;
	s0 =	rddreg [dreg:$0x4]  }
0xf3: {  	s0 =	sadd.s32 @!p0 $0x100000, s0  }
0xf4: {  	[sflag:s0] =	ssyncadd.tile.s32 @!p0 $0x1;
	_ =	shalt  }
.Lfunc_end2:
_tile_overlayer_lowered:
.L_overlay_start_2:
0xf5: {  	(tag) =	ssettag $0x2  }
0xf6: {  	s0 =	rddreg [dreg:$0x0];
	s2 =	stileid.u32  }
0xf7: {  	s1 =	rddreg [dreg:$0x1];
	p0 =	sne.s32 s2, $0x0  }
0xf8: {  	s3 =	rddreg [dreg:$0x2];
	[bflag:$0x3] =	sbarrier.arrive $0xFFFF;
	s2 =	simm.s32 @!p0 $0x1C02  }
0xf9: {  	[timem:s3], [sflag:s2] =	dma.local @!p0 [hbm:s0], s1  }
0xfa: {  	s0 =	simm.s32 @!p0 $0x2  }
0xfb: {  	_ =	swait.ge @!p0 [sflag:s0], s1  }
0xfc: {  	s1 =	ssub.s32 @!p0 $0x0, s1;
	[sflag:s0] =	ssyncset.done @!p0 $0x0  }
0xfd: {  	[sflag:s0] =	ssyncadd.s32 @!p0 s1  }
0xfe: {  	[bflag:$0x3] =	sbarrier.arrive $0xFFFF  }
0xff: {  	_ =	shalt  }

</sc_bundles>
